<compile_context>
chip_gen: v7x
topology: tpu7x:2x2x1
jax: 0.10.2.dev20260603
libtpu: 0.0.44.dev20260713+nightly
codegen_flags: <defaults>
</compile_context>

<pallas_src>
import functools

import jax
import jax.numpy as jnp
from jax import lax
from jax.experimental import pallas as pl
from jax.experimental.pallas import tpu as pltpu
from jax.experimental.pallas import tpu_sc as plsc

BATCH = 16384
VOCAB = 1000000
VOCAB_PAD = 1000448

NUM_CORES = 2
NUM_SUBCORES = 16
NUM_WORKERS = NUM_CORES * NUM_SUBCORES
B_PER_W = BATCH // NUM_WORKERS
CHUNK = 128
N_CHUNKS = B_PER_W // CHUNK
LANES = 16


def _sc_body(
    idx_hbm, pos_hbm, neg_hbm, outp_hbm, outn_hbm, outq_hbm,
    idx_v, pos_v, neg_v, prob_v, sem,
):
    wid = lax.axis_index("s") * NUM_CORES + lax.axis_index("c")
    base = wid * B_PER_W

    pltpu.sync_copy(idx_hbm.at[pl.ds(base, B_PER_W)], idx_v)

    copies = []
    for c in range(N_CHUNKS):
        sl = pl.ds(c * CHUNK, CHUNK)
        copies.append(pltpu.async_copy(pos_hbm.at[idx_v.at[sl]], pos_v.at[sl], sem))
        copies.append(pltpu.async_copy(neg_hbm.at[idx_v.at[sl]], neg_v.at[sl], sem))
    for cp in copies:
        cp.wait()

    for j in range(B_PER_W // LANES):
        sl = pl.ds(j * LANES, LANES)
        p = pos_v[sl]
        n = neg_v[sl]
        prob_v[sl] = p / (p + n)

    pltpu.sync_copy(pos_v, outp_hbm.at[pl.ds(base, B_PER_W)])
    pltpu.sync_copy(neg_v, outn_hbm.at[pl.ds(base, B_PER_W)])
    pltpu.sync_copy(prob_v, outq_hbm.at[pl.ds(base, B_PER_W)])


@functools.partial(
    pl.kernel,
    out_type=(
        jax.ShapeDtypeStruct((BATCH,), jnp.float32),
        jax.ShapeDtypeStruct((BATCH,), jnp.float32),
        jax.ShapeDtypeStruct((BATCH,), jnp.float32),
    ),
    mesh=plsc.VectorSubcoreMesh(core_axis_name="c", subcore_axis_name="s"),
    compiler_params=pltpu.CompilerParams(
        needs_layout_passes=False,
        skip_device_barrier=True,
        use_tc_tiling_on_sc=False,
    ),
    scratch_types=[
        pltpu.VMEM((B_PER_W,), jnp.int32),
        pltpu.VMEM((B_PER_W,), jnp.float32),
        pltpu.VMEM((B_PER_W,), jnp.float32),
        pltpu.VMEM((B_PER_W,), jnp.float32),
        pltpu.SemaphoreType.DMA,
    ],
)
def _encode(
    idx_hbm, pos_hbm, neg_hbm, outp_hbm, outn_hbm, outq_hbm,
    idx_v, pos_v, neg_v, prob_v, sem,
):
    _sc_body(
        idx_hbm, pos_hbm, neg_hbm, outp_hbm, outn_hbm, outq_hbm,
        idx_v, pos_v, neg_v, prob_v, sem,
    )


def kernel(inputs, positive_frequency_lookup, negative_frequency_lookup):
    idx = inputs.reshape(BATCH)
    pad = ((0, VOCAB_PAD - VOCAB), (0, 0))
    pos_t = jnp.pad(positive_frequency_lookup, pad).reshape(VOCAB_PAD)
    neg_t = jnp.pad(negative_frequency_lookup, pad).reshape(VOCAB_PAD)
    p, n, q = _encode(idx, pos_t, neg_t)
    return jnp.concatenate([p[:, None], n[:, None], q[:, None]], axis=1)

# --- scband reference (transcript-rebuilt; emitter-appended) ---
"""Pipeline reference for scband-binary-target-encoding-47339129537164 (READ-ONLY COPY).

The authoritative reference and input builder live on the scoring server;
editing this copy changes nothing except your own understanding.
"""

import jax, jax.numpy as jnp
import numpy as np

BATCH = 16384
VOCAB = 1000000

def setup_inputs(seed: int = 0) -> dict:
    key = jax.random.key(seed)
    k1, k2, k3 = jax.random.split(key, 3)
    inputs = jax.random.randint(k1, (BATCH, 1), 0, VOCAB, dtype=jnp.int32)
    # Adapted statistics tables (produced by adapt() in the original layer).
    # Stored as [vocab, 1] frequency tables; positive values so prob is well-defined.
    positive_frequency_lookup = jax.random.uniform(k2, (VOCAB, 1), dtype=jnp.float32) + 1e-3
    negative_frequency_lookup = jax.random.uniform(k3, (VOCAB, 1), dtype=jnp.float32) + 1e-3
    return {
        "inputs": inputs,
        "positive_frequency_lookup": positive_frequency_lookup,
        "negative_frequency_lookup": negative_frequency_lookup,
    }

def reference(inputs, positive_frequency_lookup, negative_frequency_lookup):
    # tf.gather_nd(table[V,1], inputs[B,1]) == row gather -> [B,1]
    idx = inputs[:, 0]
    positive_frequency = jnp.take(positive_frequency_lookup, idx, axis=0).astype(jnp.float32)
    negative_frequency = jnp.take(negative_frequency_lookup, idx, axis=0).astype(jnp.float32)
    positive_probability = positive_frequency / (positive_frequency + negative_frequency)
    return jnp.concatenate([positive_frequency, negative_frequency, positive_probability], axis=1)

if __name__ == "__main__":
    import jax
    _d = setup_inputs()
    print(jax.jit(kernel)(*tuple(_d.values())))

</pallas_src>

<mosaic_0001>
#map = affine_map<(d0, d1) -> (0)>
module attributes {stable_mosaic.version = 14 : i64} {
  func.func @_encode(%arg0: i32, %arg1: i32, %arg2: memref<16384xi32, #tpu.memory_space<hbm>>, %arg3: memref<1000448xf32, #tpu.memory_space<hbm>>, %arg4: memref<1000448xf32, #tpu.memory_space<hbm>>, %arg5: memref<16384xf32, #tpu.memory_space<hbm>>, %arg6: memref<16384xf32, #tpu.memory_space<hbm>>, %arg7: memref<16384xf32, #tpu.memory_space<hbm>>, %arg8: memref<512xi32, #tpu.memory_space<vmem>>, %arg9: memref<512xf32, #tpu.memory_space<vmem>>, %arg10: memref<512xf32, #tpu.memory_space<vmem>>, %arg11: memref<512xf32, #tpu.memory_space<vmem>>, %arg12: memref<!tpu.dma_semaphore, #tpu.memory_space<semaphore_mem>>) attributes {dimension_semantics = [#tpu.dimension_semantics<core_parallel>, #tpu.dimension_semantics<subcore_parallel>], iteration_bounds = array<i64: 2, 16>, scalar_prefetch = 0 : i64, scratch_operands = 5 : i64, tpu.core_type = #tpu.core_type<sc_vector_subcore>, window_params = [{transform_indices = #map}, {transform_indices = #map}, {transform_indices = #map}, {transform_indices = #map}, {transform_indices = #map}, {transform_indices = #map}]} {
    %mul3A = arith.constant 2 : i32
    %mul3A_0 = arith.muli %arg1, %mul3A : i32
    %add3A = arith.addi %mul3A_0, %arg0 : i32
    %mul3A_1 = arith.constant 512 : i32
    %mul3A_2 = arith.muli %add3A, %mul3A_1 : i32
    "tpu.region"() ({
      %run_scoped3A = tpu.sem_alloc : memref<!tpu.dma_semaphore, #tpu.memory_space<semaphore_mem>>
      %dma_start3A_350 = tpu.memref_slice %arg2[%mul3A_2] : memref<16384xi32, #tpu.memory_space<hbm>> -> memref<512xi32, #tpu.memory_space<hbm>>
      %dma_start3A_351 = tpu.memref_slice %arg2[%mul3A_2] : memref<16384xi32, #tpu.memory_space<hbm>> -> memref<512xi32, #tpu.memory_space<hbm>>
      tpu.enqueue_dma source(%dma_start3A_351 : memref<512xi32, #tpu.memory_space<hbm>>) target(%arg8 : memref<512xi32, #tpu.memory_space<vmem>>) target_semaphore(%run_scoped3A : memref<!tpu.dma_semaphore, #tpu.memory_space<semaphore_mem>>)
      %dma_wait3A_352 = tpu.memref_slice %arg2[%mul3A_2] : memref<16384xi32, #tpu.memory_space<hbm>> -> memref<512xi32, #tpu.memory_space<hbm>>
      %dma_wait3A_353 = tpu.memref_slice %arg2[%mul3A_2] : memref<16384xi32, #tpu.memory_space<hbm>> -> memref<512xi32, #tpu.memory_space<hbm>>
      tpu.wait_dma2 semaphore(%run_scoped3A : memref<!tpu.dma_semaphore, #tpu.memory_space<semaphore_mem>>) src(%dma_wait3A_353 : memref<512xi32, #tpu.memory_space<hbm>>) dst(%arg8 : memref<512xi32, #tpu.memory_space<vmem>>)
      tpu.yield
    }) : () -> ()
    %dma_start3A = arith.constant 0 : i32
    %dma_start3A_3 = tpu.memref_slice %arg9[%dma_start3A] : memref<512xf32, #tpu.memory_space<vmem>> -> memref<128xf32, #tpu.memory_space<vmem>>
    %dma_start3A_4 = arith.constant 0 : i32
    %dma_start3A_5 = tpu.memref_slice %arg8[%dma_start3A_4] : memref<512xi32, #tpu.memory_space<vmem>> -> memref<128xi32, #tpu.memory_space<vmem>>
    %dma_start3A_6 = arith.constant 0 : i32
    %dma_start3A_7 = tpu.memref_slice %arg3[%dma_start3A_6] : memref<1000448xf32, #tpu.memory_space<hbm>> -> memref<1000448xf32, #tpu.memory_space<hbm>>
    tpu.enqueue_indirect_dma source(%dma_start3A_7 : memref<1000448xf32, #tpu.memory_space<hbm>>) target(%dma_start3A_3 : memref<128xf32, #tpu.memory_space<vmem>>) offsets(%dma_start3A_5 : memref<128xi32, #tpu.memory_space<vmem>>) semaphore(%arg12 : memref<!tpu.dma_semaphore, #tpu.memory_space<semaphore_mem>>)
    %dma_start3A_8 = arith.constant 0 : i32
    %dma_start3A_9 = tpu.memref_slice %arg10[%dma_start3A_8] : memref<512xf32, #tpu.memory_space<vmem>> -> memref<128xf32, #tpu.memory_space<vmem>>
    %dma_start3A_10 = arith.constant 0 : i32
    %dma_start3A_11 = tpu.memref_slice %arg8[%dma_start3A_10] : memref<512xi32, #tpu.memory_space<vmem>> -> memref<128xi32, #tpu.memory_space<vmem>>
    %dma_start3A_12 = arith.constant 0 : i32
    %dma_start3A_13 = tpu.memref_slice %arg4[%dma_start3A_12] : memref<1000448xf32, #tpu.memory_space<hbm>> -> memref<1000448xf32, #tpu.memory_space<hbm>>
    tpu.enqueue_indirect_dma source(%dma_start3A_13 : memref<1000448xf32, #tpu.memory_space<hbm>>) target(%dma_start3A_9 : memref<128xf32, #tpu.memory_space<vmem>>) offsets(%dma_start3A_11 : memref<128xi32, #tpu.memory_space<vmem>>) semaphore(%arg12 : memref<!tpu.dma_semaphore, #tpu.memory_space<semaphore_mem>>)
    %dma_start3A_14 = arith.constant 128 : i32
    %dma_start3A_15 = tpu.memref_slice %arg9[%dma_start3A_14] : memref<512xf32, #tpu.memory_space<vmem>> -> memref<128xf32, #tpu.memory_space<vmem>>
    %dma_start3A_16 = arith.constant 128 : i32
    %dma_start3A_17 = tpu.memref_slice %arg8[%dma_start3A_16] : memref<512xi32, #tpu.memory_space<vmem>> -> memref<128xi32, #tpu.memory_space<vmem>>
    %dma_start3A_18 = arith.constant 0 : i32
    %dma_start3A_19 = tpu.memref_slice %arg3[%dma_start3A_18] : memref<1000448xf32, #tpu.memory_space<hbm>> -> memref<1000448xf32, #tpu.memory_space<hbm>>
    tpu.enqueue_indirect_dma source(%dma_start3A_19 : memref<1000448xf32, #tpu.memory_space<hbm>>) target(%dma_start3A_15 : memref<128xf32, #tpu.memory_space<vmem>>) offsets(%dma_start3A_17 : memref<128xi32, #tpu.memory_space<vmem>>) semaphore(%arg12 : memref<!tpu.dma_semaphore, #tpu.memory_space<semaphore_mem>>)
    %dma_start3A_20 = arith.constant 128 : i32
    %dma_start3A_21 = tpu.memref_slice %arg10[%dma_start3A_20] : memref<512xf32, #tpu.memory_space<vmem>> -> memref<128xf32, #tpu.memory_space<vmem>>
    %dma_start3A_22 = arith.constant 128 : i32
    %dma_start3A_23 = tpu.memref_slice %arg8[%dma_start3A_22] : memref<512xi32, #tpu.memory_space<vmem>> -> memref<128xi32, #tpu.memory_space<vmem>>
    %dma_start3A_24 = arith.constant 0 : i32
    %dma_start3A_25 = tpu.memref_slice %arg4[%dma_start3A_24] : memref<1000448xf32, #tpu.memory_space<hbm>> -> memref<1000448xf32, #tpu.memory_space<hbm>>
    tpu.enqueue_indirect_dma source(%dma_start3A_25 : memref<1000448xf32, #tpu.memory_space<hbm>>) target(%dma_start3A_21 : memref<128xf32, #tpu.memory_space<vmem>>) offsets(%dma_start3A_23 : memref<128xi32, #tpu.memory_space<vmem>>) semaphore(%arg12 : memref<!tpu.dma_semaphore, #tpu.memory_space<semaphore_mem>>)
    %dma_start3A_26 = arith.constant 256 : i32
    %dma_start3A_27 = tpu.memref_slice %arg9[%dma_start3A_26] : memref<512xf32, #tpu.memory_space<vmem>> -> memref<128xf32, #tpu.memory_space<vmem>>
    %dma_start3A_28 = arith.constant 256 : i32
    %dma_start3A_29 = tpu.memref_slice %arg8[%dma_start3A_28] : memref<512xi32, #tpu.memory_space<vmem>> -> memref<128xi32, #tpu.memory_space<vmem>>
    %dma_start3A_30 = arith.constant 0 : i32
    %dma_start3A_31 = tpu.memref_slice %arg3[%dma_start3A_30] : memref<1000448xf32, #tpu.memory_space<hbm>> -> memref<1000448xf32, #tpu.memory_space<hbm>>
    tpu.enqueue_indirect_dma source(%dma_start3A_31 : memref<1000448xf32, #tpu.memory_space<hbm>>) target(%dma_start3A_27 : memref<128xf32, #tpu.memory_space<vmem>>) offsets(%dma_start3A_29 : memref<128xi32, #tpu.memory_space<vmem>>) semaphore(%arg12 : memref<!tpu.dma_semaphore, #tpu.memory_space<semaphore_mem>>)
    %dma_start3A_32 = arith.constant 256 : i32
    %dma_start3A_33 = tpu.memref_slice %arg10[%dma_start3A_32] : memref<512xf32, #tpu.memory_space<vmem>> -> memref<128xf32, #tpu.memory_space<vmem>>
    %dma_start3A_34 = arith.constant 256 : i32
    %dma_start3A_35 = tpu.memref_slice %arg8[%dma_start3A_34] : memref<512xi32, #tpu.memory_space<vmem>> -> memref<128xi32, #tpu.memory_space<vmem>>
    %dma_start3A_36 = arith.constant 0 : i32
    %dma_start3A_37 = tpu.memref_slice %arg4[%dma_start3A_36] : memref<1000448xf32, #tpu.memory_space<hbm>> -> memref<1000448xf32, #tpu.memory_space<hbm>>
    tpu.enqueue_indirect_dma source(%dma_start3A_37 : memref<1000448xf32, #tpu.memory_space<hbm>>) target(%dma_start3A_33 : memref<128xf32, #tpu.memory_space<vmem>>) offsets(%dma_start3A_35 : memref<128xi32, #tpu.memory_space<vmem>>) semaphore(%arg12 : memref<!tpu.dma_semaphore, #tpu.memory_space<semaphore_mem>>)
    %dma_start3A_38 = arith.constant 384 : i32
    %dma_start3A_39 = tpu.memref_slice %arg9[%dma_start3A_38] : memref<512xf32, #tpu.memory_space<vmem>> -> memref<128xf32, #tpu.memory_space<vmem>>
    %dma_start3A_40 = arith.constant 384 : i32
    %dma_start3A_41 = tpu.memref_slice %arg8[%dma_start3A_40] : memref<512xi32, #tpu.memory_space<vmem>> -> memref<128xi32, #tpu.memory_space<vmem>>
    %dma_start3A_42 = arith.constant 0 : i32
    %dma_start3A_43 = tpu.memref_slice %arg3[%dma_start3A_42] : memref<1000448xf32, #tpu.memory_space<hbm>> -> memref<1000448xf32, #tpu.memory_space<hbm>>
    tpu.enqueue_indirect_dma source(%dma_start3A_43 : memref<1000448xf32, #tpu.memory_space<hbm>>) target(%dma_start3A_39 : memref<128xf32, #tpu.memory_space<vmem>>) offsets(%dma_start3A_41 : memref<128xi32, #tpu.memory_space<vmem>>) semaphore(%arg12 : memref<!tpu.dma_semaphore, #tpu.memory_space<semaphore_mem>>)
    %dma_start3A_44 = arith.constant 384 : i32
    %dma_start3A_45 = tpu.memref_slice %arg10[%dma_start3A_44] : memref<512xf32, #tpu.memory_space<vmem>> -> memref<128xf32, #tpu.memory_space<vmem>>
    %dma_start3A_46 = arith.constant 384 : i32
    %dma_start3A_47 = tpu.memref_slice %arg8[%dma_start3A_46] : memref<512xi32, #tpu.memory_space<vmem>> -> memref<128xi32, #tpu.memory_space<vmem>>
    %dma_start3A_48 = arith.constant 0 : i32
    %dma_start3A_49 = tpu.memref_slice %arg4[%dma_start3A_48] : memref<1000448xf32, #tpu.memory_space<hbm>> -> memref<1000448xf32, #tpu.memory_space<hbm>>
    tpu.enqueue_indirect_dma source(%dma_start3A_49 : memref<1000448xf32, #tpu.memory_space<hbm>>) target(%dma_start3A_45 : memref<128xf32, #tpu.memory_space<vmem>>) offsets(%dma_start3A_47 : memref<128xi32, #tpu.memory_space<vmem>>) semaphore(%arg12 : memref<!tpu.dma_semaphore, #tpu.memory_space<semaphore_mem>>)
    %dma_wait3A = arith.constant 0 : i32
    %dma_wait3A_50 = tpu.memref_slice %arg9[%dma_wait3A] : memref<512xf32, #tpu.memory_space<vmem>> -> memref<128xf32, #tpu.memory_space<vmem>>
    %dma_wait3A_51 = arith.constant 0 : i32
    %dma_wait3A_52 = tpu.memref_slice %arg8[%dma_wait3A_51] : memref<512xi32, #tpu.memory_space<vmem>> -> memref<128xi32, #tpu.memory_space<vmem>>
    %dma_wait3A_53 = arith.constant 0 : i32
    %dma_wait3A_54 = tpu.memref_slice %arg3[%dma_wait3A_53] : memref<1000448xf32, #tpu.memory_space<hbm>> -> memref<1000448xf32, #tpu.memory_space<hbm>>
    tpu.wait_indirect_dma semaphore(%arg12 : memref<!tpu.dma_semaphore, #tpu.memory_space<semaphore_mem>>) src(%dma_wait3A_54 : memref<1000448xf32, #tpu.memory_space<hbm>>) dst(%dma_wait3A_50 : memref<128xf32, #tpu.memory_space<vmem>>)
    %dma_wait3A_55 = arith.constant 0 : i32
    %dma_wait3A_56 = tpu.memref_slice %arg10[%dma_wait3A_55] : memref<512xf32, #tpu.memory_space<vmem>> -> memref<128xf32, #tpu.memory_space<vmem>>
    %dma_wait3A_57 = arith.constant 0 : i32
    %dma_wait3A_58 = tpu.memref_slice %arg8[%dma_wait3A_57] : memref<512xi32, #tpu.memory_space<vmem>> -> memref<128xi32, #tpu.memory_space<vmem>>
    %dma_wait3A_59 = arith.constant 0 : i32
    %dma_wait3A_60 = tpu.memref_slice %arg4[%dma_wait3A_59] : memref<1000448xf32, #tpu.memory_space<hbm>> -> memref<1000448xf32, #tpu.memory_space<hbm>>
    tpu.wait_indirect_dma semaphore(%arg12 : memref<!tpu.dma_semaphore, #tpu.memory_space<semaphore_mem>>) src(%dma_wait3A_60 : memref<1000448xf32, #tpu.memory_space<hbm>>) dst(%dma_wait3A_56 : memref<128xf32, #tpu.memory_space<vmem>>)
    %dma_wait3A_61 = arith.constant 128 : i32
    %dma_wait3A_62 = tpu.memref_slice %arg9[%dma_wait3A_61] : memref<512xf32, #tpu.memory_space<vmem>> -> memref<128xf32, #tpu.memory_space<vmem>>
    %dma_wait3A_63 = arith.constant 128 : i32
    %dma_wait3A_64 = tpu.memref_slice %arg8[%dma_wait3A_63] : memref<512xi32, #tpu.memory_space<vmem>> -> memref<128xi32, #tpu.memory_space<vmem>>
    %dma_wait3A_65 = arith.constant 0 : i32
    %dma_wait3A_66 = tpu.memref_slice %arg3[%dma_wait3A_65] : memref<1000448xf32, #tpu.memory_space<hbm>> -> memref<1000448xf32, #tpu.memory_space<hbm>>
    tpu.wait_indirect_dma semaphore(%arg12 : memref<!tpu.dma_semaphore, #tpu.memory_space<semaphore_mem>>) src(%dma_wait3A_66 : memref<1000448xf32, #tpu.memory_space<hbm>>) dst(%dma_wait3A_62 : memref<128xf32, #tpu.memory_space<vmem>>)
    %dma_wait3A_67 = arith.constant 128 : i32
    %dma_wait3A_68 = tpu.memref_slice %arg10[%dma_wait3A_67] : memref<512xf32, #tpu.memory_space<vmem>> -> memref<128xf32, #tpu.memory_space<vmem>>
    %dma_wait3A_69 = arith.constant 128 : i32
    %dma_wait3A_70 = tpu.memref_slice %arg8[%dma_wait3A_69] : memref<512xi32, #tpu.memory_space<vmem>> -> memref<128xi32, #tpu.memory_space<vmem>>
    %dma_wait3A_71 = arith.constant 0 : i32
    %dma_wait3A_72 = tpu.memref_slice %arg4[%dma_wait3A_71] : memref<1000448xf32, #tpu.memory_space<hbm>> -> memref<1000448xf32, #tpu.memory_space<hbm>>
    tpu.wait_indirect_dma semaphore(%arg12 : memref<!tpu.dma_semaphore, #tpu.memory_space<semaphore_mem>>) src(%dma_wait3A_72 : memref<1000448xf32, #tpu.memory_space<hbm>>) dst(%dma_wait3A_68 : memref<128xf32, #tpu.memory_space<vmem>>)
    %dma_wait3A_73 = arith.constant 256 : i32
    %dma_wait3A_74 = tpu.memref_slice %arg9[%dma_wait3A_73] : memref<512xf32, #tpu.memory_space<vmem>> -> memref<128xf32, #tpu.memory_space<vmem>>
    %dma_wait3A_75 = arith.constant 256 : i32
    %dma_wait3A_76 = tpu.memref_slice %arg8[%dma_wait3A_75] : memref<512xi32, #tpu.memory_space<vmem>> -> memref<128xi32, #tpu.memory_space<vmem>>
    %dma_wait3A_77 = arith.constant 0 : i32
    %dma_wait3A_78 = tpu.memref_slice %arg3[%dma_wait3A_77] : memref<1000448xf32, #tpu.memory_space<hbm>> -> memref<1000448xf32, #tpu.memory_space<hbm>>
    tpu.wait_indirect_dma semaphore(%arg12 : memref<!tpu.dma_semaphore, #tpu.memory_space<semaphore_mem>>) src(%dma_wait3A_78 : memref<1000448xf32, #tpu.memory_space<hbm>>) dst(%dma_wait3A_74 : memref<128xf32, #tpu.memory_space<vmem>>)
    %dma_wait3A_79 = arith.constant 256 : i32
    %dma_wait3A_80 = tpu.memref_slice %arg10[%dma_wait3A_79] : memref<512xf32, #tpu.memory_space<vmem>> -> memref<128xf32, #tpu.memory_space<vmem>>
    %dma_wait3A_81 = arith.constant 256 : i32
    %dma_wait3A_82 = tpu.memref_slice %arg8[%dma_wait3A_81] : memref<512xi32, #tpu.memory_space<vmem>> -> memref<128xi32, #tpu.memory_space<vmem>>
    %dma_wait3A_83 = arith.constant 0 : i32
    %dma_wait3A_84 = tpu.memref_slice %arg4[%dma_wait3A_83] : memref<1000448xf32, #tpu.memory_space<hbm>> -> memref<1000448xf32, #tpu.memory_space<hbm>>
    tpu.wait_indirect_dma semaphore(%arg12 : memref<!tpu.dma_semaphore, #tpu.memory_space<semaphore_mem>>) src(%dma_wait3A_84 : memref<1000448xf32, #tpu.memory_space<hbm>>) dst(%dma_wait3A_80 : memref<128xf32, #tpu.memory_space<vmem>>)
    %dma_wait3A_85 = arith.constant 384 : i32
    %dma_wait3A_86 = tpu.memref_slice %arg9[%dma_wait3A_85] : memref<512xf32, #tpu.memory_space<vmem>> -> memref<128xf32, #tpu.memory_space<vmem>>
    %dma_wait3A_87 = arith.constant 384 : i32
    %dma_wait3A_88 = tpu.memref_slice %arg8[%dma_wait3A_87] : memref<512xi32, #tpu.memory_space<vmem>> -> memref<128xi32, #tpu.memory_space<vmem>>
    %dma_wait3A_89 = arith.constant 0 : i32
    %dma_wait3A_90 = tpu.memref_slice %arg3[%dma_wait3A_89] : memref<1000448xf32, #tpu.memory_space<hbm>> -> memref<1000448xf32, #tpu.memory_space<hbm>>
    tpu.wait_indirect_dma semaphore(%arg12 : memref<!tpu.dma_semaphore, #tpu.memory_space<semaphore_mem>>) src(%dma_wait3A_90 : memref<1000448xf32, #tpu.memory_space<hbm>>) dst(%dma_wait3A_86 : memref<128xf32, #tpu.memory_space<vmem>>)
    %dma_wait3A_91 = arith.constant 384 : i32
    %dma_wait3A_92 = tpu.memref_slice %arg10[%dma_wait3A_91] : memref<512xf32, #tpu.memory_space<vmem>> -> memref<128xf32, #tpu.memory_space<vmem>>
    %dma_wait3A_93 = arith.constant 384 : i32
    %dma_wait3A_94 = tpu.memref_slice %arg8[%dma_wait3A_93] : memref<512xi32, #tpu.memory_space<vmem>> -> memref<128xi32, #tpu.memory_space<vmem>>
    %dma_wait3A_95 = arith.constant 0 : i32
    %dma_wait3A_96 = tpu.memref_slice %arg4[%dma_wait3A_95] : memref<1000448xf32, #tpu.memory_space<hbm>> -> memref<1000448xf32, #tpu.memory_space<hbm>>
    tpu.wait_indirect_dma semaphore(%arg12 : memref<!tpu.dma_semaphore, #tpu.memory_space<semaphore_mem>>) src(%dma_wait3A_96 : memref<1000448xf32, #tpu.memory_space<hbm>>) dst(%dma_wait3A_92 : memref<128xf32, #tpu.memory_space<vmem>>)
    %get3A = arith.constant 0 : index
    %get3A_97 = tpu.vector_load %arg9[%get3A] {strides = array<i32>} : memref<512xf32, #tpu.memory_space<vmem>>, vector<16xf32>,
    %get3A_98 = arith.constant 0 : index
    %get3A_99 = tpu.vector_load %arg10[%get3A_98] {strides = array<i32>} : memref<512xf32, #tpu.memory_space<vmem>>, vector<16xf32>,
    %add3A_100 = arith.addf %get3A_97, %get3A_99 : vector<16xf32>
    %div3A = arith.divf %get3A_97, %add3A_100 : vector<16xf32>
    %swap3A = arith.constant 0 : index
    %swap3A_101 = tpu.vector_load %arg11[%swap3A] {strides = array<i32>} : memref<512xf32, #tpu.memory_space<vmem>>, vector<16xf32>,
    tpu.vector_store %arg11[%swap3A], %div3A {strides = array<i32>} : memref<512xf32, #tpu.memory_space<vmem>>, vector<16xf32>,
    %get3A_102 = arith.constant 16 : index
    %get3A_103 = tpu.vector_load %arg9[%get3A_102] {strides = array<i32>} : memref<512xf32, #tpu.memory_space<vmem>>, vector<16xf32>,
    %get3A_104 = arith.constant 16 : index
    %get3A_105 = tpu.vector_load %arg10[%get3A_104] {strides = array<i32>} : memref<512xf32, #tpu.memory_space<vmem>>, vector<16xf32>,
    %add3A_106 = arith.addf %get3A_103, %get3A_105 : vector<16xf32>
    %div3A_107 = arith.divf %get3A_103, %add3A_106 : vector<16xf32>
    %swap3A_108 = arith.constant 16 : index
    %swap3A_109 = tpu.vector_load %arg11[%swap3A_108] {strides = array<i32>} : memref<512xf32, #tpu.memory_space<vmem>>, vector<16xf32>,
    tpu.vector_store %arg11[%swap3A_108], %div3A_107 {strides = array<i32>} : memref<512xf32, #tpu.memory_space<vmem>>, vector<16xf32>,
    %get3A_110 = arith.constant 32 : index
    %get3A_111 = tpu.vector_load %arg9[%get3A_110] {strides = array<i32>} : memref<512xf32, #tpu.memory_space<vmem>>, vector<16xf32>,
    %get3A_112 = arith.constant 32 : index
    %get3A_113 = tpu.vector_load %arg10[%get3A_112] {strides = array<i32>} : memref<512xf32, #tpu.memory_space<vmem>>, vector<16xf32>,
    %add3A_114 = arith.addf %get3A_111, %get3A_113 : vector<16xf32>
    %div3A_115 = arith.divf %get3A_111, %add3A_114 : vector<16xf32>
    %swap3A_116 = arith.constant 32 : index
    %swap3A_117 = tpu.vector_load %arg11[%swap3A_116] {strides = array<i32>} : memref<512xf32, #tpu.memory_space<vmem>>, vector<16xf32>,
    tpu.vector_store %arg11[%swap3A_116], %div3A_115 {strides = array<i32>} : memref<512xf32, #tpu.memory_space<vmem>>, vector<16xf32>,
    %get3A_118 = arith.constant 48 : index
    %get3A_119 = tpu.vector_load %arg9[%get3A_118] {strides = array<i32>} : memref<512xf32, #tpu.memory_space<vmem>>, vector<16xf32>,
    %get3A_120 = arith.constant 48 : index
    %get3A_121 = tpu.vector_load %arg10[%get3A_120] {strides = array<i32>} : memref<512xf32, #tpu.memory_space<vmem>>, vector<16xf32>,
    %add3A_122 = arith.addf %get3A_119, %get3A_121 : vector<16xf32>
    %div3A_123 = arith.divf %get3A_119, %add3A_122 : vector<16xf32>
    %swap3A_124 = arith.constant 48 : index
    %swap3A_125 = tpu.vector_load %arg11[%swap3A_124] {strides = array<i32>} : memref<512xf32, #tpu.memory_space<vmem>>, vector<16xf32>,
    tpu.vector_store %arg11[%swap3A_124], %div3A_123 {strides = array<i32>} : memref<512xf32, #tpu.memory_space<vmem>>, vector<16xf32>,
    %get3A_126 = arith.constant 64 : index
    %get3A_127 = tpu.vector_load %arg9[%get3A_126] {strides = array<i32>} : memref<512xf32, #tpu.memory_space<vmem>>, vector<16xf32>,
    %get3A_128 = arith.constant 64 : index
    %get3A_129 = tpu.vector_load %arg10[%get3A_128] {strides = array<i32>} : memref<512xf32, #tpu.memory_space<vmem>>, vector<16xf32>,
    %add3A_130 = arith.addf %get3A_127, %get3A_129 : vector<16xf32>
    %div3A_131 = arith.divf %get3A_127, %add3A_130 : vector<16xf32>
    %swap3A_132 = arith.constant 64 : index
    %swap3A_133 = tpu.vector_load %arg11[%swap3A_132] {strides = array<i32>} : memref<512xf32, #tpu.memory_space<vmem>>, vector<16xf32>,
    tpu.vector_store %arg11[%swap3A_132], %div3A_131 {strides = array<i32>} : memref<512xf32, #tpu.memory_space<vmem>>, vector<16xf32>,
    %get3A_134 = arith.constant 80 : index
    %get3A_135 = tpu.vector_load %arg9[%get3A_134] {strides = array<i32>} : memref<512xf32, #tpu.memory_space<vmem>>, vector<16xf32>,
    %get3A_136 = arith.constant 80 : index
    %get3A_137 = tpu.vector_load %arg10[%get3A_136] {strides = array<i32>} : memref<512xf32, #tpu.memory_space<vmem>>, vector<16xf32>,
    %add3A_138 = arith.addf %get3A_135, %get3A_137 : vector<16xf32>
    %div3A_139 = arith.divf %get3A_135, %add3A_138 : vector<16xf32>
    %swap3A_140 = arith.constant 80 : index
    %swap3A_141 = tpu.vector_load %arg11[%swap3A_140] {strides = array<i32>} : memref<512xf32, #tpu.memory_space<vmem>>, vector<16xf32>,
    tpu.vector_store %arg11[%swap3A_140], %div3A_139 {strides = array<i32>} : memref<512xf32, #tpu.memory_space<vmem>>, vector<16xf32>,
    %get3A_142 = arith.constant 96 : index
    %get3A_143 = tpu.vector_load %arg9[%get3A_142] {strides = array<i32>} : memref<512xf32, #tpu.memory_space<vmem>>, vector<16xf32>,
    %get3A_144 = arith.constant 96 : index
    %get3A_145 = tpu.vector_load %arg10[%get3A_144] {strides = array<i32>} : memref<512xf32, #tpu.memory_space<vmem>>, vector<16xf32>,
    %add3A_146 = arith.addf %get3A_143, %get3A_145 : vector<16xf32>
    %div3A_147 = arith.divf %get3A_143, %add3A_146 : vector<16xf32>
    %swap3A_148 = arith.constant 96 : index
    %swap3A_149 = tpu.vector_load %arg11[%swap3A_148] {strides = array<i32>} : memref<512xf32, #tpu.memory_space<vmem>>, vector<16xf32>,
    tpu.vector_store %arg11[%swap3A_148], %div3A_147 {strides = array<i32>} : memref<512xf32, #tpu.memory_space<vmem>>, vector<16xf32>,
    %get3A_150 = arith.constant 112 : index
    %get3A_151 = tpu.vector_load %arg9[%get3A_150] {strides = array<i32>} : memref<512xf32, #tpu.memory_space<vmem>>, vector<16xf32>,
    %get3A_152 = arith.constant 112 : index
    %get3A_153 = tpu.vector_load %arg10[%get3A_152] {strides = array<i32>} : memref<512xf32, #tpu.memory_space<vmem>>, vector<16xf32>,
    %add3A_154 = arith.addf %get3A_151, %get3A_153 : vector<16xf32>
    %div3A_155 = arith.divf %get3A_151, %add3A_154 : vector<16xf32>
    %swap3A_156 = arith.constant 112 : index
    %swap3A_157 = tpu.vector_load %arg11[%swap3A_156] {strides = array<i32>} : memref<512xf32, #tpu.memory_space<vmem>>, vector<16xf32>,
    tpu.vector_store %arg11[%swap3A_156], %div3A_155 {strides = array<i32>} : memref<512xf32, #tpu.memory_space<vmem>>, vector<16xf32>,
    %get3A_158 = arith.constant 128 : index
    %get3A_159 = tpu.vector_load %arg9[%get3A_158] {strides = array<i32>} : memref<512xf32, #tpu.memory_space<vmem>>, vector<16xf32>,
    %get3A_160 = arith.constant 128 : index
    %get3A_161 = tpu.vector_load %arg10[%get3A_160] {strides = array<i32>} : memref<512xf32, #tpu.memory_space<vmem>>, vector<16xf32>,
    %add3A_162 = arith.addf %get3A_159, %get3A_161 : vector<16xf32>
    %div3A_163 = arith.divf %get3A_159, %add3A_162 : vector<16xf32>
    %swap3A_164 = arith.constant 128 : index
    %swap3A_165 = tpu.vector_load %arg11[%swap3A_164] {strides = array<i32>} : memref<512xf32, #tpu.memory_space<vmem>>, vector<16xf32>,
    tpu.vector_store %arg11[%swap3A_164], %div3A_163 {strides = array<i32>} : memref<512xf32, #tpu.memory_space<vmem>>, vector<16xf32>,
    %get3A_166 = arith.constant 144 : index
    %get3A_167 = tpu.vector_load %arg9[%get3A_166] {strides = array<i32>} : memref<512xf32, #tpu.memory_space<vmem>>, vector<16xf32>,
    %get3A_168 = arith.constant 144 : index
    %get3A_169 = tpu.vector_load %arg10[%get3A_168] {strides = array<i32>} : memref<512xf32, #tpu.memory_space<vmem>>, vector<16xf32>,
    %add3A_170 = arith.addf %get3A_167, %get3A_169 : vector<16xf32>
    %div3A_171 = arith.divf %get3A_167, %add3A_170 : vector<16xf32>
    %swap3A_172 = arith.constant 144 : index
    %swap3A_173 = tpu.vector_load %arg11[%swap3A_172] {strides = array<i32>} : memref<512xf32, #tpu.memory_space<vmem>>, vector<16xf32>,
    tpu.vector_store %arg11[%swap3A_172], %div3A_171 {strides = array<i32>} : memref<512xf32, #tpu.memory_space<vmem>>, vector<16xf32>,
    %get3A_174 = arith.constant 160 : index
    %get3A_175 = tpu.vector_load %arg9[%get3A_174] {strides = array<i32>} : memref<512xf32, #tpu.memory_space<vmem>>, vector<16xf32>,
    %get3A_176 = arith.constant 160 : index
    %get3A_177 = tpu.vector_load %arg10[%get3A_176] {strides = array<i32>} : memref<512xf32, #tpu.memory_space<vmem>>, vector<16xf32>,
    %add3A_178 = arith.addf %get3A_175, %get3A_177 : vector<16xf32>
    %div3A_179 = arith.divf %get3A_175, %add3A_178 : vector<16xf32>
    %swap3A_180 = arith.constant 160 : index
    %swap3A_181 = tpu.vector_load %arg11[%swap3A_180] {strides = array<i32>} : memref<512xf32, #tpu.memory_space<vmem>>, vector<16xf32>,
    tpu.vector_store %arg11[%swap3A_180], %div3A_179 {strides = array<i32>} : memref<512xf32, #tpu.memory_space<vmem>>, vector<16xf32>,
    %get3A_182 = arith.constant 176 : index
    %get3A_183 = tpu.vector_load %arg9[%get3A_182] {strides = array<i32>} : memref<512xf32, #tpu.memory_space<vmem>>, vector<16xf32>,
    %get3A_184 = arith.constant 176 : index
    %get3A_185 = tpu.vector_load %arg10[%get3A_184] {strides = array<i32>} : memref<512xf32, #tpu.memory_space<vmem>>, vector<16xf32>,
    %add3A_186 = arith.addf %get3A_183, %get3A_185 : vector<16xf32>
    %div3A_187 = arith.divf %get3A_183, %add3A_186 : vector<16xf32>
    %swap3A_188 = arith.constant 176 : index
    %swap3A_189 = tpu.vector_load %arg11[%swap3A_188] {strides = array<i32>} : memref<512xf32, #tpu.memory_space<vmem>>, vector<16xf32>,
    tpu.vector_store %arg11[%swap3A_188], %div3A_187 {strides = array<i32>} : memref<512xf32, #tpu.memory_space<vmem>>, vector<16xf32>,
    %get3A_190 = arith.constant 192 : index
    %get3A_191 = tpu.vector_load %arg9[%get3A_190] {strides = array<i32>} : memref<512xf32, #tpu.memory_space<vmem>>, vector<16xf32>,
    %get3A_192 = arith.constant 192 : index
    %get3A_193 = tpu.vector_load %arg10[%get3A_192] {strides = array<i32>} : memref<512xf32, #tpu.memory_space<vmem>>, vector<16xf32>,
    %add3A_194 = arith.addf %get3A_191, %get3A_193 : vector<16xf32>
    %div3A_195 = arith.divf %get3A_191, %add3A_194 : vector<16xf32>
    %swap3A_196 = arith.constant 192 : index
    %swap3A_197 = tpu.vector_load %arg11[%swap3A_196] {strides = array<i32>} : memref<512xf32, #tpu.memory_space<vmem>>, vector<16xf32>,
    tpu.vector_store %arg11[%swap3A_196], %div3A_195 {strides = array<i32>} : memref<512xf32, #tpu.memory_space<vmem>>, vector<16xf32>,
    %get3A_198 = arith.constant 208 : index
    %get3A_199 = tpu.vector_load %arg9[%get3A_198] {strides = array<i32>} : memref<512xf32, #tpu.memory_space<vmem>>, vector<16xf32>,
    %get3A_200 = arith.constant 208 : index
    %get3A_201 = tpu.vector_load %arg10[%get3A_200] {strides = array<i32>} : memref<512xf32, #tpu.memory_space<vmem>>, vector<16xf32>,
    %add3A_202 = arith.addf %get3A_199, %get3A_201 : vector<16xf32>
    %div3A_203 = arith.divf %get3A_199, %add3A_202 : vector<16xf32>
    %swap3A_204 = arith.constant 208 : index
    %swap3A_205 = tpu.vector_load %arg11[%swap3A_204] {strides = array<i32>} : memref<512xf32, #tpu.memory_space<vmem>>, vector<16xf32>,
    tpu.vector_store %arg11[%swap3A_204], %div3A_203 {strides = array<i32>} : memref<512xf32, #tpu.memory_space<vmem>>, vector<16xf32>,
    %get3A_206 = arith.constant 224 : index
    %get3A_207 = tpu.vector_load %arg9[%get3A_206] {strides = array<i32>} : memref<512xf32, #tpu.memory_space<vmem>>, vector<16xf32>,
    %get3A_208 = arith.constant 224 : index
    %get3A_209 = tpu.vector_load %arg10[%get3A_208] {strides = array<i32>} : memref<512xf32, #tpu.memory_space<vmem>>, vector<16xf32>,
    %add3A_210 = arith.addf %get3A_207, %get3A_209 : vector<16xf32>
    %div3A_211 = arith.divf %get3A_207, %add3A_210 : vector<16xf32>
    %swap3A_212 = arith.constant 224 : index
    %swap3A_213 = tpu.vector_load %arg11[%swap3A_212] {strides = array<i32>} : memref<512xf32, #tpu.memory_space<vmem>>, vector<16xf32>,
    tpu.vector_store %arg11[%swap3A_212], %div3A_211 {strides = array<i32>} : memref<512xf32, #tpu.memory_space<vmem>>, vector<16xf32>,
    %get3A_214 = arith.constant 240 : index
    %get3A_215 = tpu.vector_load %arg9[%get3A_214] {strides = array<i32>} : memref<512xf32, #tpu.memory_space<vmem>>, vector<16xf32>,
    %get3A_216 = arith.constant 240 : index
    %get3A_217 = tpu.vector_load %arg10[%get3A_216] {strides = array<i32>} : memref<512xf32, #tpu.memory_space<vmem>>, vector<16xf32>,
    %add3A_218 = arith.addf %get3A_215, %get3A_217 : vector<16xf32>
    %div3A_219 = arith.divf %get3A_215, %add3A_218 : vector<16xf32>
    %swap3A_220 = arith.constant 240 : index
    %swap3A_221 = tpu.vector_load %arg11[%swap3A_220] {strides = array<i32>} : memref<512xf32, #tpu.memory_space<vmem>>, vector<16xf32>,
    tpu.vector_store %arg11[%swap3A_220], %div3A_219 {strides = array<i32>} : memref<512xf32, #tpu.memory_space<vmem>>, vector<16xf32>,
    %get3A_222 = arith.constant 256 : index
    %get3A_223 = tpu.vector_load %arg9[%get3A_222] {strides = array<i32>} : memref<512xf32, #tpu.memory_space<vmem>>, vector<16xf32>,
    %get3A_224 = arith.constant 256 : index
    %get3A_225 = tpu.vector_load %arg10[%get3A_224] {strides = array<i32>} : memref<512xf32, #tpu.memory_space<vmem>>, vector<16xf32>,
    %add3A_226 = arith.addf %get3A_223, %get3A_225 : vector<16xf32>
    %div3A_227 = arith.divf %get3A_223, %add3A_226 : vector<16xf32>
    %swap3A_228 = arith.constant 256 : index
    %swap3A_229 = tpu.vector_load %arg11[%swap3A_228] {strides = array<i32>} : memref<512xf32, #tpu.memory_space<vmem>>, vector<16xf32>,
    tpu.vector_store %arg11[%swap3A_228], %div3A_227 {strides = array<i32>} : memref<512xf32, #tpu.memory_space<vmem>>, vector<16xf32>,
    %get3A_230 = arith.constant 272 : index
    %get3A_231 = tpu.vector_load %arg9[%get3A_230] {strides = array<i32>} : memref<512xf32, #tpu.memory_space<vmem>>, vector<16xf32>,
    %get3A_232 = arith.constant 272 : index
    %get3A_233 = tpu.vector_load %arg10[%get3A_232] {strides = array<i32>} : memref<512xf32, #tpu.memory_space<vmem>>, vector<16xf32>,
    %add3A_234 = arith.addf %get3A_231, %get3A_233 : vector<16xf32>
    %div3A_235 = arith.divf %get3A_231, %add3A_234 : vector<16xf32>
    %swap3A_236 = arith.constant 272 : index
    %swap3A_237 = tpu.vector_load %arg11[%swap3A_236] {strides = array<i32>} : memref<512xf32, #tpu.memory_space<vmem>>, vector<16xf32>,
    tpu.vector_store %arg11[%swap3A_236], %div3A_235 {strides = array<i32>} : memref<512xf32, #tpu.memory_space<vmem>>, vector<16xf32>,
    %get3A_238 = arith.constant 288 : index
    %get3A_239 = tpu.vector_load %arg9[%get3A_238] {strides = array<i32>} : memref<512xf32, #tpu.memory_space<vmem>>, vector<16xf32>,
    %get3A_240 = arith.constant 288 : index
    %get3A_241 = tpu.vector_load %arg10[%get3A_240] {strides = array<i32>} : memref<512xf32, #tpu.memory_space<vmem>>, vector<16xf32>,
    %add3A_242 = arith.addf %get3A_239, %get3A_241 : vector<16xf32>
    %div3A_243 = arith.divf %get3A_239, %add3A_242 : vector<16xf32>
    %swap3A_244 = arith.constant 288 : index
    %swap3A_245 = tpu.vector_load %arg11[%swap3A_244] {strides = array<i32>} : memref<512xf32, #tpu.memory_space<vmem>>, vector<16xf32>,
    tpu.vector_store %arg11[%swap3A_244], %div3A_243 {strides = array<i32>} : memref<512xf32, #tpu.memory_space<vmem>>, vector<16xf32>,
    %get3A_246 = arith.constant 304 : index
    %get3A_247 = tpu.vector_load %arg9[%get3A_246] {strides = array<i32>} : memref<512xf32, #tpu.memory_space<vmem>>, vector<16xf32>,
    %get3A_248 = arith.constant 304 : index
    %get3A_249 = tpu.vector_load %arg10[%get3A_248] {strides = array<i32>} : memref<512xf32, #tpu.memory_space<vmem>>, vector<16xf32>,
    %add3A_250 = arith.addf %get3A_247, %get3A_249 : vector<16xf32>
    %div3A_251 = arith.divf %get3A_247, %add3A_250 : vector<16xf32>
    %swap3A_252 = arith.constant 304 : index
    %swap3A_253 = tpu.vector_load %arg11[%swap3A_252] {strides = array<i32>} : memref<512xf32, #tpu.memory_space<vmem>>, vector<16xf32>,
    tpu.vector_store %arg11[%swap3A_252], %div3A_251 {strides = array<i32>} : memref<512xf32, #tpu.memory_space<vmem>>, vector<16xf32>,
    %get3A_254 = arith.constant 320 : index
    %get3A_255 = tpu.vector_load %arg9[%get3A_254] {strides = array<i32>} : memref<512xf32, #tpu.memory_space<vmem>>, vector<16xf32>,
    %get3A_256 = arith.constant 320 : index
    %get3A_257 = tpu.vector_load %arg10[%get3A_256] {strides = array<i32>} : memref<512xf32, #tpu.memory_space<vmem>>, vector<16xf32>,
    %add3A_258 = arith.addf %get3A_255, %get3A_257 : vector<16xf32>
    %div3A_259 = arith.divf %get3A_255, %add3A_258 : vector<16xf32>
    %swap3A_260 = arith.constant 320 : index
    %swap3A_261 = tpu.vector_load %arg11[%swap3A_260] {strides = array<i32>} : memref<512xf32, #tpu.memory_space<vmem>>, vector<16xf32>,
    tpu.vector_store %arg11[%swap3A_260], %div3A_259 {strides = array<i32>} : memref<512xf32, #tpu.memory_space<vmem>>, vector<16xf32>,
    %get3A_262 = arith.constant 336 : index
    %get3A_263 = tpu.vector_load %arg9[%get3A_262] {strides = array<i32>} : memref<512xf32, #tpu.memory_space<vmem>>, vector<16xf32>,
    %get3A_264 = arith.constant 336 : index
    %get3A_265 = tpu.vector_load %arg10[%get3A_264] {strides = array<i32>} : memref<512xf32, #tpu.memory_space<vmem>>, vector<16xf32>,
    %add3A_266 = arith.addf %get3A_263, %get3A_265 : vector<16xf32>
    %div3A_267 = arith.divf %get3A_263, %add3A_266 : vector<16xf32>
    %swap3A_268 = arith.constant 336 : index
    %swap3A_269 = tpu.vector_load %arg11[%swap3A_268] {strides = array<i32>} : memref<512xf32, #tpu.memory_space<vmem>>, vector<16xf32>,
    tpu.vector_store %arg11[%swap3A_268], %div3A_267 {strides = array<i32>} : memref<512xf32, #tpu.memory_space<vmem>>, vector<16xf32>,
    %get3A_270 = arith.constant 352 : index
    %get3A_271 = tpu.vector_load %arg9[%get3A_270] {strides = array<i32>} : memref<512xf32, #tpu.memory_space<vmem>>, vector<16xf32>,
    %get3A_272 = arith.constant 352 : index
    %get3A_273 = tpu.vector_load %arg10[%get3A_272] {strides = array<i32>} : memref<512xf32, #tpu.memory_space<vmem>>, vector<16xf32>,
    %add3A_274 = arith.addf %get3A_271, %get3A_273 : vector<16xf32>
    %div3A_275 = arith.divf %get3A_271, %add3A_274 : vector<16xf32>
    %swap3A_276 = arith.constant 352 : index
    %swap3A_277 = tpu.vector_load %arg11[%swap3A_276] {strides = array<i32>} : memref<512xf32, #tpu.memory_space<vmem>>, vector<16xf32>,
    tpu.vector_store %arg11[%swap3A_276], %div3A_275 {strides = array<i32>} : memref<512xf32, #tpu.memory_space<vmem>>, vector<16xf32>,
    %get3A_278 = arith.constant 368 : index
    %get3A_279 = tpu.vector_load %arg9[%get3A_278] {strides = array<i32>} : memref<512xf32, #tpu.memory_space<vmem>>, vector<16xf32>,
    %get3A_280 = arith.constant 368 : index
    %get3A_281 = tpu.vector_load %arg10[%get3A_280] {strides = array<i32>} : memref<512xf32, #tpu.memory_space<vmem>>, vector<16xf32>,
    %add3A_282 = arith.addf %get3A_279, %get3A_281 : vector<16xf32>
    %div3A_283 = arith.divf %get3A_279, %add3A_282 : vector<16xf32>
    %swap3A_284 = arith.constant 368 : index
    %swap3A_285 = tpu.vector_load %arg11[%swap3A_284] {strides = array<i32>} : memref<512xf32, #tpu.memory_space<vmem>>, vector<16xf32>,
    tpu.vector_store %arg11[%swap3A_284], %div3A_283 {strides = array<i32>} : memref<512xf32, #tpu.memory_space<vmem>>, vector<16xf32>,
    %get3A_286 = arith.constant 384 : index
    %get3A_287 = tpu.vector_load %arg9[%get3A_286] {strides = array<i32>} : memref<512xf32, #tpu.memory_space<vmem>>, vector<16xf32>,
    %get3A_288 = arith.constant 384 : index
    %get3A_289 = tpu.vector_load %arg10[%get3A_288] {strides = array<i32>} : memref<512xf32, #tpu.memory_space<vmem>>, vector<16xf32>,
    %add3A_290 = arith.addf %get3A_287, %get3A_289 : vector<16xf32>
    %div3A_291 = arith.divf %get3A_287, %add3A_290 : vector<16xf32>
    %swap3A_292 = arith.constant 384 : index
    %swap3A_293 = tpu.vector_load %arg11[%swap3A_292] {strides = array<i32>} : memref<512xf32, #tpu.memory_space<vmem>>, vector<16xf32>,
    tpu.vector_store %arg11[%swap3A_292], %div3A_291 {strides = array<i32>} : memref<512xf32, #tpu.memory_space<vmem>>, vector<16xf32>,
    %get3A_294 = arith.constant 400 : index
    %get3A_295 = tpu.vector_load %arg9[%get3A_294] {strides = array<i32>} : memref<512xf32, #tpu.memory_space<vmem>>, vector<16xf32>,
    %get3A_296 = arith.constant 400 : index
    %get3A_297 = tpu.vector_load %arg10[%get3A_296] {strides = array<i32>} : memref<512xf32, #tpu.memory_space<vmem>>, vector<16xf32>,
    %add3A_298 = arith.addf %get3A_295, %get3A_297 : vector<16xf32>
    %div3A_299 = arith.divf %get3A_295, %add3A_298 : vector<16xf32>
    %swap3A_300 = arith.constant 400 : index
    %swap3A_301 = tpu.vector_load %arg11[%swap3A_300] {strides = array<i32>} : memref<512xf32, #tpu.memory_space<vmem>>, vector<16xf32>,
    tpu.vector_store %arg11[%swap3A_300], %div3A_299 {strides = array<i32>} : memref<512xf32, #tpu.memory_space<vmem>>, vector<16xf32>,
    %get3A_302 = arith.constant 416 : index
    %get3A_303 = tpu.vector_load %arg9[%get3A_302] {strides = array<i32>} : memref<512xf32, #tpu.memory_space<vmem>>, vector<16xf32>,
    %get3A_304 = arith.constant 416 : index
    %get3A_305 = tpu.vector_load %arg10[%get3A_304] {strides = array<i32>} : memref<512xf32, #tpu.memory_space<vmem>>, vector<16xf32>,
    %add3A_306 = arith.addf %get3A_303, %get3A_305 : vector<16xf32>
    %div3A_307 = arith.divf %get3A_303, %add3A_306 : vector<16xf32>
    %swap3A_308 = arith.constant 416 : index
    %swap3A_309 = tpu.vector_load %arg11[%swap3A_308] {strides = array<i32>} : memref<512xf32, #tpu.memory_space<vmem>>, vector<16xf32>,
    tpu.vector_store %arg11[%swap3A_308], %div3A_307 {strides = array<i32>} : memref<512xf32, #tpu.memory_space<vmem>>, vector<16xf32>,
    %get3A_310 = arith.constant 432 : index
    %get3A_311 = tpu.vector_load %arg9[%get3A_310] {strides = array<i32>} : memref<512xf32, #tpu.memory_space<vmem>>, vector<16xf32>,
    %get3A_312 = arith.constant 432 : index
    %get3A_313 = tpu.vector_load %arg10[%get3A_312] {strides = array<i32>} : memref<512xf32, #tpu.memory_space<vmem>>, vector<16xf32>,
    %add3A_314 = arith.addf %get3A_311, %get3A_313 : vector<16xf32>
    %div3A_315 = arith.divf %get3A_311, %add3A_314 : vector<16xf32>
    %swap3A_316 = arith.constant 432 : index
    %swap3A_317 = tpu.vector_load %arg11[%swap3A_316] {strides = array<i32>} : memref<512xf32, #tpu.memory_space<vmem>>, vector<16xf32>,
    tpu.vector_store %arg11[%swap3A_316], %div3A_315 {strides = array<i32>} : memref<512xf32, #tpu.memory_space<vmem>>, vector<16xf32>,
    %get3A_318 = arith.constant 448 : index
    %get3A_319 = tpu.vector_load %arg9[%get3A_318] {strides = array<i32>} : memref<512xf32, #tpu.memory_space<vmem>>, vector<16xf32>,
    %get3A_320 = arith.constant 448 : index
    %get3A_321 = tpu.vector_load %arg10[%get3A_320] {strides = array<i32>} : memref<512xf32, #tpu.memory_space<vmem>>, vector<16xf32>,
    %add3A_322 = arith.addf %get3A_319, %get3A_321 : vector<16xf32>
    %div3A_323 = arith.divf %get3A_319, %add3A_322 : vector<16xf32>
    %swap3A_324 = arith.constant 448 : index
    %swap3A_325 = tpu.vector_load %arg11[%swap3A_324] {strides = array<i32>} : memref<512xf32, #tpu.memory_space<vmem>>, vector<16xf32>,
    tpu.vector_store %arg11[%swap3A_324], %div3A_323 {strides = array<i32>} : memref<512xf32, #tpu.memory_space<vmem>>, vector<16xf32>,
    %get3A_326 = arith.constant 464 : index
    %get3A_327 = tpu.vector_load %arg9[%get3A_326] {strides = array<i32>} : memref<512xf32, #tpu.memory_space<vmem>>, vector<16xf32>,
    %get3A_328 = arith.constant 464 : index
    %get3A_329 = tpu.vector_load %arg10[%get3A_328] {strides = array<i32>} : memref<512xf32, #tpu.memory_space<vmem>>, vector<16xf32>,
    %add3A_330 = arith.addf %get3A_327, %get3A_329 : vector<16xf32>
    %div3A_331 = arith.divf %get3A_327, %add3A_330 : vector<16xf32>
    %swap3A_332 = arith.constant 464 : index
    %swap3A_333 = tpu.vector_load %arg11[%swap3A_332] {strides = array<i32>} : memref<512xf32, #tpu.memory_space<vmem>>, vector<16xf32>,
    tpu.vector_store %arg11[%swap3A_332], %div3A_331 {strides = array<i32>} : memref<512xf32, #tpu.memory_space<vmem>>, vector<16xf32>,
    %get3A_334 = arith.constant 480 : index
    %get3A_335 = tpu.vector_load %arg9[%get3A_334] {strides = array<i32>} : memref<512xf32, #tpu.memory_space<vmem>>, vector<16xf32>,
    %get3A_336 = arith.constant 480 : index
    %get3A_337 = tpu.vector_load %arg10[%get3A_336] {strides = array<i32>} : memref<512xf32, #tpu.memory_space<vmem>>, vector<16xf32>,
    %add3A_338 = arith.addf %get3A_335, %get3A_337 : vector<16xf32>
    %div3A_339 = arith.divf %get3A_335, %add3A_338 : vector<16xf32>
    %swap3A_340 = arith.constant 480 : index
    %swap3A_341 = tpu.vector_load %arg11[%swap3A_340] {strides = array<i32>} : memref<512xf32, #tpu.memory_space<vmem>>, vector<16xf32>,
    tpu.vector_store %arg11[%swap3A_340], %div3A_339 {strides = array<i32>} : memref<512xf32, #tpu.memory_space<vmem>>, vector<16xf32>,
    %get3A_342 = arith.constant 496 : index
    %get3A_343 = tpu.vector_load %arg9[%get3A_342] {strides = array<i32>} : memref<512xf32, #tpu.memory_space<vmem>>, vector<16xf32>,
    %get3A_344 = arith.constant 496 : index
    %get3A_345 = tpu.vector_load %arg10[%get3A_344] {strides = array<i32>} : memref<512xf32, #tpu.memory_space<vmem>>, vector<16xf32>,
    %add3A_346 = arith.addf %get3A_343, %get3A_345 : vector<16xf32>
    %div3A_347 = arith.divf %get3A_343, %add3A_346 : vector<16xf32>
    %swap3A_348 = arith.constant 496 : index
    %swap3A_349 = tpu.vector_load %arg11[%swap3A_348] {strides = array<i32>} : memref<512xf32, #tpu.memory_space<vmem>>, vector<16xf32>,
    tpu.vector_store %arg11[%swap3A_348], %div3A_347 {strides = array<i32>} : memref<512xf32, #tpu.memory_space<vmem>>, vector<16xf32>,
    "tpu.region"() ({
      %run_scoped3A = tpu.sem_alloc : memref<!tpu.dma_semaphore, #tpu.memory_space<semaphore_mem>>
      %dma_start3A_350 = tpu.memref_slice %arg5[%mul3A_2] : memref<16384xf32, #tpu.memory_space<hbm>> -> memref<512xf32, #tpu.memory_space<hbm>>
      %dma_start3A_351 = tpu.memref_slice %arg5[%mul3A_2] : memref<16384xf32, #tpu.memory_space<hbm>> -> memref<512xf32, #tpu.memory_space<hbm>>
      tpu.enqueue_dma source(%arg9 : memref<512xf32, #tpu.memory_space<vmem>>) target(%dma_start3A_351 : memref<512xf32, #tpu.memory_space<hbm>>) target_semaphore(%run_scoped3A : memref<!tpu.dma_semaphore, #tpu.memory_space<semaphore_mem>>)
      %dma_wait3A_352 = tpu.memref_slice %arg5[%mul3A_2] : memref<16384xf32, #tpu.memory_space<hbm>> -> memref<512xf32, #tpu.memory_space<hbm>>
      %dma_wait3A_353 = tpu.memref_slice %arg5[%mul3A_2] : memref<16384xf32, #tpu.memory_space<hbm>> -> memref<512xf32, #tpu.memory_space<hbm>>
      tpu.wait_dma2 semaphore(%run_scoped3A : memref<!tpu.dma_semaphore, #tpu.memory_space<semaphore_mem>>) src(%arg9 : memref<512xf32, #tpu.memory_space<vmem>>) dst(%dma_wait3A_353 : memref<512xf32, #tpu.memory_space<hbm>>)
      tpu.yield
    }) : () -> ()
    "tpu.region"() ({
      %run_scoped3A = tpu.sem_alloc : memref<!tpu.dma_semaphore, #tpu.memory_space<semaphore_mem>>
      %dma_start3A_350 = tpu.memref_slice %arg6[%mul3A_2] : memref<16384xf32, #tpu.memory_space<hbm>> -> memref<512xf32, #tpu.memory_space<hbm>>
      %dma_start3A_351 = tpu.memref_slice %arg6[%mul3A_2] : memref<16384xf32, #tpu.memory_space<hbm>> -> memref<512xf32, #tpu.memory_space<hbm>>
      tpu.enqueue_dma source(%arg10 : memref<512xf32, #tpu.memory_space<vmem>>) target(%dma_start3A_351 : memref<512xf32, #tpu.memory_space<hbm>>) target_semaphore(%run_scoped3A : memref<!tpu.dma_semaphore, #tpu.memory_space<semaphore_mem>>)
      %dma_wait3A_352 = tpu.memref_slice %arg6[%mul3A_2] : memref<16384xf32, #tpu.memory_space<hbm>> -> memref<512xf32, #tpu.memory_space<hbm>>
      %dma_wait3A_353 = tpu.memref_slice %arg6[%mul3A_2] : memref<16384xf32, #tpu.memory_space<hbm>> -> memref<512xf32, #tpu.memory_space<hbm>>
      tpu.wait_dma2 semaphore(%run_scoped3A : memref<!tpu.dma_semaphore, #tpu.memory_space<semaphore_mem>>) src(%arg10 : memref<512xf32, #tpu.memory_space<vmem>>) dst(%dma_wait3A_353 : memref<512xf32, #tpu.memory_space<hbm>>)
      tpu.yield
    }) : () -> ()
    "tpu.region"() ({
      %run_scoped3A = tpu.sem_alloc : memref<!tpu.dma_semaphore, #tpu.memory_space<semaphore_mem>>
      %dma_start3A_350 = tpu.memref_slice %arg7[%mul3A_2] : memref<16384xf32, #tpu.memory_space<hbm>> -> memref<512xf32, #tpu.memory_space<hbm>>
      %dma_start3A_351 = tpu.memref_slice %arg7[%mul3A_2] : memref<16384xf32, #tpu.memory_space<hbm>> -> memref<512xf32, #tpu.memory_space<hbm>>
      tpu.enqueue_dma source(%arg11 : memref<512xf32, #tpu.memory_space<vmem>>) target(%dma_start3A_351 : memref<512xf32, #tpu.memory_space<hbm>>) target_semaphore(%run_scoped3A : memref<!tpu.dma_semaphore, #tpu.memory_space<semaphore_mem>>)
      %dma_wait3A_352 = tpu.memref_slice %arg7[%mul3A_2] : memref<16384xf32, #tpu.memory_space<hbm>> -> memref<512xf32, #tpu.memory_space<hbm>>
      %dma_wait3A_353 = tpu.memref_slice %arg7[%mul3A_2] : memref<16384xf32, #tpu.memory_space<hbm>> -> memref<512xf32, #tpu.memory_space<hbm>>
      tpu.wait_dma2 semaphore(%run_scoped3A : memref<!tpu.dma_semaphore, #tpu.memory_space<semaphore_mem>>) src(%arg11 : memref<512xf32, #tpu.memory_space<vmem>>) dst(%dma_wait3A_353 : memref<512xf32, #tpu.memory_space<hbm>>)
      tpu.yield
    }) : () -> ()
    return
  }
}

</mosaic_0001>

<sc_bundles>
// kernel: kernel.3.cloned.1.call-start
scs
__scs_entry_jumppad:
0x0: {  	(pc) =	sbr.rel $0x88, $3  }
0x1: {  	(tag) =	ssettag $0x0;
	lr =	simm.s32 $0x1  }
0x2: {  	[smem:$0x3F9E] =	sst lr;
	_ =	strace $0xD0000000  }
0x3: {  	_ = 	snop  }
0x4: {  	_ = 	snop  }
0x5: {  	_ = 	snop  }
0x6: {  	_ = 	snop  }
0x7: {  	_ = 	snop  }
__scs_overlays_trampoline_lowered:
0x8: {  	[smem:$0x3FAD] =	sst s0  }
0x9: {  	[smem:$0x3FAE] =	sst s1  }
0xa: {  	[smem:$0x3FAF] =	sst s2  }
0xb: {  	[smem:$0x3FB0] =	sst s3  }
0xc: {  	[smem:$0x3FB1] =	sst s4  }
0xd: {  	[smem:$0x3FB2] =	sst s5  }
0xe: {  	[smem:$0x3FB3] =	sst s6  }
0xf: {  	[smem:$0x3FB4] =	sst s7  }
0x10: {  	[smem:$0x3FB5] =	sst s8  }
0x11: {  	[smem:$0x3FB6] =	sst s9;
	s0 =	simm.s32 @!p0 $0x0  }
0x12: {  	s1 =	sld [smem:$0x3F9C];
	s0 =	simm.s32 @p0 $0x1  }
0x13: {  	[smem:$0x3FB7] =	sst s0;
	s0 =	simm.s32 @!p1 $0x0  }
0x14: {  	s2 =	sld [smem:$0x3F9B];
	s0 =	simm.s32 @p1 $0x1  }
0x15: {  	[smem:$0x3FB8] =	sst s0;
	s0 =	simm.s32 @!p2 $0x0  }
0x16: {  	s3 =	sld [smem:$0x3FDB];
	s0 =	simm.s32 @p2 $0x1  }
0x17: {  	s4 =	simm.s32 $0x1BF5;
	[smem:$0x3FBA] =	sst s0  }
0x18: {  	s0 =	sld [smem:$0x3F9D];
	_ =	swait.ge [sflag:s4], $0x0  }
0x19: {  	s7 =	sld [smem:$0x3F9E]  }
0x1a: {  	s8 =	sadd.s32 $0xFFFFE003, lr  }
0x1b: {  	s9 =	sadd.s32 $0xFFFFFEF7, lr;
	s5 =	simm.s32 $0xFFFFFFFF;
	p2 =	slt.u32 s8, $0xFFFFF086  }
0x1c: {  	p1 =	slt.u32 s9, $0xF7A;
	s5 =	simm.s32 @!p2 $0x0  }
0x1d: {  	s5 =	simm.s32 @p1 $0x1;
	p0 =	seq.s32 s7, s2  }
0x1e: {  	s7 =	smul.u32 @!p0 $0xF7A, s2;
	p2 =	seq.s32 @!p0 s5, $0x0  }
0x1f: {  	s9 =	smul.u32 $0xF7A, s1;
	s8 =	simm.s32 @!p0 $0x1BF5;
	p2 =	por !p2, p0  }
0x20: {  	[sflag:s8] =	ssyncset.s32 @!p0 $0xFFFFF086;
	s6 =	sadd.s32 @!p0 s3, s7;
	s7 =	simm.s32 @!p0 $0x108  }
0x21: {  	s3 =	sadd.s32 s3, s9;
	s6 =	sadd.s32 @!p0 $0x88, s6;
	s7 =	simm.s32 @p2 $0x1082  }
0x22: {  	[simem:s7], [sflag:s8] =	dma.local @!p0 [hbm:s6], $0xF7A  }
0x23: {  	s9 =	sor.u32 $0xD0000000, s2;
	s6 =	simm.s32 $0x108;
	_ =	swait.ge @!p0 [sflag:s8], $0x0  }
0x24: {  	s3 =	sadd.s32 $0x88, s3;
	s6 =	simm.s32 @!p1 $0x1082;
	[sflag:s4] =	ssyncset.s32 $0xFFFFF086  }
0x25: {  	[simem:s6], [sflag:s4] =	dma.local [hbm:s3], $0xF7A  }
0x26: {  	[smem:$0x3F9E] =	sst s1;
	(tag) =	ssettag s2;
	_ =	strace s9  }
0x27: {  	s1 =	sld [smem:$0x3FAE]  }
0x28: {  	s2 =	sld [smem:$0x3FAF]  }
0x29: {  	s4 =	sld [smem:$0x3FB1]  }
0x2a: {  	p0 =	seq.s32 s5, $0x0;
	s5 =	sld [smem:$0x3FB2]  }
0x2b: {  	s6 =	sld [smem:$0x3FB3]  }
0x2c: {  	s7 =	sld [smem:$0x3FB4]  }
0x2d: {  	s3 =	simm.s32 $0x108;
	s8 =	sld [smem:$0x3FB5]  }
0x2e: {  	s3 =	simm.s32 @!p0 $0x1082;
	s9 =	sld [smem:$0x3FB6]  }
0x2f: {  	lr =	sadd.s32 s0, s3;
	s0 =	sld [smem:$0x3FAD]  }
0x30: {  	s3 =	sld [smem:$0x3FB0]  }
0x31: {  	[smem:$0x3FB9] =	sst s10  }
0x32: {  	s10 =	sld [smem:$0x3FB7];
	_ =	sdelay $0x3  }
0x33: {  	p0 =	seq.s32 s10, $0x1;
	s10 =	sld [smem:$0x3FB9];
	_ =	sdelay $0x3  }
0x34: {  	[smem:$0x3FB9] =	sst s10  }
0x35: {  	s10 =	sld [smem:$0x3FB8];
	_ =	sdelay $0x3  }
0x36: {  	p1 =	seq.s32 s10, $0x1;
	s10 =	sld [smem:$0x3FB9];
	_ =	sdelay $0x3  }
0x37: {  	[smem:$0x3FB9] =	sst s10  }
0x38: {  	s10 =	sld [smem:$0x3FBA]  }
0x39: {  	_ = 	snop;
	(pc) =	sbr.ind lr, $3  }
0x3a: {  	_ = 	snop  }
0x3b: {  	_ = 	snop  }
0x3c: {  	p2 =	seq.s32 s10, $0x1;
	s10 =	sld [smem:$0x3FB9]  }
0x3d: {  	_ =	shalt  }
0x3e: {  	_ =	shalt  }
0x3f: {  	_ =	shalt  }
0x40: {  	_ =	shalt  }
0x41: {  	_ =	shalt  }
0x42: {  	_ =	shalt  }
0x43: {  	_ =	shalt  }
0x44: {  	_ =	shalt  }
0x45: {  	_ =	shalt  }
0x46: {  	_ =	shalt  }
0x47: {  	_ =	shalt  }
0x48: {  	_ =	shalt  }
0x49: {  	_ =	shalt  }
0x4a: {  	_ =	shalt  }
0x4b: {  	_ =	shalt  }
0x4c: {  	_ =	shalt  }
0x4d: {  	_ =	shalt  }
0x4e: {  	_ =	shalt  }
0x4f: {  	_ =	shalt  }
0x50: {  	_ =	shalt  }
0x51: {  	_ =	shalt  }
0x52: {  	_ =	shalt  }
0x53: {  	_ =	shalt  }
0x54: {  	_ =	shalt  }
0x55: {  	_ =	shalt  }
0x56: {  	_ =	shalt  }
0x57: {  	_ =	shalt  }
0x58: {  	_ =	shalt  }
0x59: {  	_ =	shalt  }
0x5a: {  	_ =	shalt  }
0x5b: {  	_ =	shalt  }
0x5c: {  	_ =	shalt  }
0x5d: {  	_ =	shalt  }
0x5e: {  	_ =	shalt  }
0x5f: {  	_ =	shalt  }
0x60: {  	_ =	shalt  }
0x61: {  	_ =	shalt  }
0x62: {  	_ =	shalt  }
0x63: {  	_ =	shalt  }
0x64: {  	_ =	shalt  }
0x65: {  	_ =	shalt  }
0x66: {  	_ =	shalt  }
0x67: {  	_ =	shalt  }
0x68: {  	_ =	shalt  }
0x69: {  	_ =	shalt  }
0x6a: {  	_ =	shalt  }
0x6b: {  	_ =	shalt  }
0x6c: {  	_ =	shalt  }
0x6d: {  	_ =	shalt  }
0x6e: {  	_ =	shalt  }
0x6f: {  	_ =	shalt  }
0x70: {  	_ =	shalt  }
0x71: {  	_ =	shalt  }
0x72: {  	_ =	shalt  }
0x73: {  	_ =	shalt  }
0x74: {  	_ =	shalt  }
0x75: {  	_ =	shalt  }
0x76: {  	_ =	shalt  }
0x77: {  	_ =	shalt  }
0x78: {  	_ =	shalt  }
0x79: {  	_ =	shalt  }
0x7a: {  	_ =	shalt  }
0x7b: {  	_ =	shalt  }
0x7c: {  	_ =	shalt  }
0x7d: {  	_ =	shalt  }
0x7e: {  	_ =	shalt  }
0x7f: {  	_ =	shalt  }
0x80: {  	_ =	shalt  }
0x81: {  	_ =	shalt  }
0x82: {  	_ =	shalt  }
0x83: {  	_ =	shalt  }
0x84: {  	_ =	shalt  }
0x85: {  	_ =	shalt  }
0x86: {  	_ =	shalt  }
0x87: {  	_ =	shalt  }
.Lfunc_end0:
.L_simem_size_0:
called_computation_lowered:
.L_overlay_start_0:
0x88: {  	s2 =	sld [smem:$0x3FD9]  }
0x89: {  	s3 =	sld [smem:$0x3FFE];
	_ =	sdelay $0x1  }
0x8a: {  	s1 =	srdreg.scid  }
0x8b: {  	s0 =	sand.u32 $0x1, s1  }
0x8c: {  	s17 =	sshll.u32 s0, $0xA;
	s2 =	sadd.s32 s3, s2  }
0x8d: {  	s2 =	sadd.s32 s2, s17  }
0x8e: {  	[smem:$0x3FC5] =	sst s2  }
0x8f: {  	_ = 	snop  }
0x90: {  	s2 =	sld [smem:$0x3FC9];
	(tm) =	ssettm $0x1  }
0x91: {  	s18 =	sld [smem:$0x3FFB];
	_ =	sdelay $0x3  }
0x92: {  	_ =	strace s18  }
0x93: {  	s3 =	sld [smem:$0x3FFC];
	_ =	sdelay $0x3  }
0x94: {  	_ =	strace s3  }
0x95: {  	s3 =	sld [smem:$0x3FFD];
	_ =	sdelay $0x3  }
0x96: {  	_ =	strace s3  }
0x97: {  	_ =	strace $0x8FFFFFFF  }
0x98: {  	s19 =	sld [smem:$0x3FDB];
	_ =	sdelay $0x1  }
0x99: {  	s4 =	simm.s32 $_scs_section_size  }
0x9a: {  	s5 =	simm.s32 $_size__tile_overlayer_lowered;
	s6 =	simm.s32 $_tile_overlayer_lowered  }
0x9b: {  	s22 =	simm.s32 $0x1BFF;
	s21 =	sshll.u32 s6, $0x1;
	s3 =	sadd.s32 s4, s19  }
0x9c: {  	s7 =	simm.s32 $0x0;
	s20 =	sshll.u32 s5, $0x1;
	s5 =	sadd.s32 s21, s3  }
0x9d: {  	[timem:s7], [sflag:s22] =	dma.local [hbm:s5], s20  }
0x9e: {  	_ =	swait.ge [sflag:s22], s20  }
0x9f: {  	s4 =	ssub.s32 $0x0, s20;
	[sflag:s22] =	ssyncset.done $0x0  }
0xa0: {  	[sflag:s22] =	ssyncadd.s32 s4;
	_ =	sdelay $0x1  }
0xa1: {  	s23 =	simm.s32 $0x1B8B  }
0xa2: {  	_ =	swait.ge [sflag:s23], $0x1  }
0xa3: {  	[sflag:s23] =	ssyncset.done $0x0  }
0xa4: {  	s25 =	simm.s32 $0x1B8E;
	s24 =	sld [smem:$0x3FFE];
	[sflag:s23] =	ssyncadd.s32 $0xFFFFFFFF  }
0xa5: {  	s26 =	simm.s32 $execute0_lowered;
	[smem:$0x3FD2] =	sst s25  }
0xa6: {  	s5 =	sshll.u32 s26, $0x1;
	_ =	strace $0x80000046;
	[dreg:$0x1] =	wrdreg $0xFFFFFFFF  }
0xa7: {  	s28 =	simm.s32 $_size_execute0_lowered;
	s3 =	sadd.s32 s3, s5;
	[dreg:$0x0] =	wrdreg $0x0  }
0xa8: {  	s5 =	sshll.u32 s28, $0x1;
	[dreg:$0x2] =	wrdreg s3  }
0xa9: {  	[dreg:$0x3] =	wrdreg s5  }
0xaa: {  	[dreg:$0x4] =	wrdreg $0xC0  }
0xab: {  	_ =	task [dreg:s7], $0x5FFFF  }
0xac: {  	[dreg:$0x1] =	wrdreg $0xFFFFFFFF  }
0xad: {  	[dreg:$0x0] =	wrdreg $0x60  }
0xae: {  	[dreg:$0x2] =	wrdreg s2  }
0xaf: {  	[dreg:$0x3] =	wrdreg s24  }
0xb0: {  	[dreg:$0x4] =	wrdreg $0x9  }
0xb1: {  	_ =	task.clear_ibuf [dreg:s7], $0x5FFFF;
	_ =	strace $0x90000046  }
0xb2: {  	s29 =	simm.s32 $0x9;
	_ =	strace $0x80000048  }
0xb3: {  	_ =	swait.ge [sflag:s29], $0x1  }
0xb4: {  	[sflag:s29] =	ssyncadd.s32 $0xFFFFFFFF  }
0xb5: {  	_ =	strace $0x90000048  }
0xb6: {  	_ =	sfence  }
0xb7: {  	s30 =	sld [smem:$0x0];
	_ =	sdelay $0x2  }
0xb8: {  	s31 =	sshll.u32 s1, $0xD;
	s1 =	sshrl.u32 s1, $0x2  }
0xb9: {  	s3 =	sand.u32 $0x4000, s31;
	s1 =	sadd.s32 s1, s30  }
0xba: {  	s0 =	sor.u32 s3, s0;
	s1 =	sshll.u32 s1, $0x11  }
0xbb: {  	s0 =	sor.u32 s1, s0  }
0xbc: {  	s0 =	sadd.s32 $0x8F2B, s0  }
0xbd: {  	[sflag:s0] =	ssyncadd.remote.s32 $0x1  }
0xbe: {  	_ =	sfence.sel $0xFFFF  }
0xbf: {  	[dreg:$0x0] =	wrdreg $0xFFFFFFFF;
	(pc) =	sbr.abs _section_cstart, $3  }
0xc0: {  	[dreg:$0x1] =	wrdreg $0xFFFFFFFF  }
0xc1: {  	_ =	task.clear_ibuf [dreg:s7], $0x2FFFF;
	_ =	strace $0x9FFFFFFF  }
0xc2: {  	(tm) =	ssettm $0x7FFFFFFF  }
0xc3: {  	_ =	shalt  }
tec
execute0_lowered:
.L_overlay_start_1:
0x0: {  	(tag) =	ssettag $0x1  }
0x1: {  	s5 =	rddreg [dreg:$0x0]  }
0x2: {  	s6 =	rddreg [dreg:$0x1]  }
0x3: {  	s0 =	rddreg [dreg:$0x2];
	s1 =	simm.s32 $0x0  }
0x4: {  	s4 =	srdreg.scid;
	s2 =	stileid.u32;
	s11 =	simm.s32 $0x80  }
0x5: {  	s12 =	simm.s32 $0x200;
	s13 =	simm.s32 $0x400;
	s14 =	simm.s32 $0x280  }
0x6: {  	s15 =	simm.s32 $0x480;
	s16 =	simm.s32 $0x100;
	s17 =	simm.s32 $0x300  }
0x7: {  	s18 =	simm.s32 $0x500;
	s19 =	simm.s32 $0x180;
	s20 =	simm.s32 $0x380  }
0x8: {  	s21 =	simm.s32 $0x580;
	s22 =	simm.s32 $0x1;
	s23 =	simm.s32 $0x600  }
0x9: {  	[smem:$0x7FF] =	sst s1;
	s3 =	sadd.s32 $0xA00, s6;
	s4 =	sand.u32 $0x1, s4  }
0xa: {  	s7 =	sshll.u32 s2, $0x7;
	s8 =	sshll.u32 s4, $0x6;
	s9 =	ssub.s32 $0x2, s4  }
0xb: {  	_ =	strace $0x80000047;
	s7 =	sor.u32 s8, s7;
	s31 =	sshrl.u32 s9, $0x1  }
0xc: {  	s4 =	sadd.s32 $0x1F400, s6;
	s10 =	sadd.s32 s7, s6;
	s9 =	ssub.s32 s9, s31  }
0xd: {  	s5 =	sadd.s32 s5, s7;
	s6 =	sadd.s32 $0x3DE00, s10;
	s7 =	sadd.s32 $0x3E600, s10  }
0xe: {  	s8 =	sadd.s32 $0x3EE00, s10;
	s9 =	smax.u32 s9, $0x1;
	s10 =	simm.s32 $0x2  }
.LBB2_1:
0xf: {  	[tilespmem:s1], [sflag:$0x2] =	stream.linear.gather [hbm4b:s5+s1], $0x200, $0x38;
	[tilespmem:$0x800] =	vst v63  }
0x10: {  	_ =	swait.ge [sflag:s10], $0x200  }
0x11: {  	[sflag:s10] =	ssyncset.done $0x0  }
0x12: {  	[sflag:s10] =	ssyncadd.s32 $0xFFFFFE00  }
0x13: {  	[tilespmem:s12], [sflag:$0x1] =	stream.indirect.gather [hbm4b:s3+s11], $0x1, s1, s11, $0xb8;
	[tilespmem:$0x800] =	vst v63  }
0x14: {  	_ = 	snop  }
0x15: {  	[tilespmem:s13], [sflag:$0x1] =	stream.indirect.gather [hbm4b:s4+s11], $0x1, s1, s11, $0xb8;
	[tilespmem:$0x800] =	vst v63  }
0x16: {  	_ = 	snop  }
0x17: {  	[tilespmem:s14], [sflag:$0x1] =	stream.indirect.gather [hbm4b:s3+s11], $0x1, s11, s11, $0xb8;
	[tilespmem:$0x800] =	vst v63  }
0x18: {  	_ = 	snop  }
0x19: {  	[tilespmem:s15], [sflag:$0x1] =	stream.indirect.gather [hbm4b:s4+s11], $0x1, s11, s11, $0xb8;
	[tilespmem:$0x800] =	vst v63  }
0x1a: {  	_ = 	snop  }
0x1b: {  	[tilespmem:s17], [sflag:$0x1] =	stream.indirect.gather [hbm4b:s3+s11], $0x1, s16, s11, $0xb8;
	[tilespmem:$0x800] =	vst v63  }
0x1c: {  	_ = 	snop  }
0x1d: {  	[tilespmem:s18], [sflag:$0x1] =	stream.indirect.gather [hbm4b:s4+s11], $0x1, s16, s11, $0xb8;
	[tilespmem:$0x800] =	vst v63  }
0x1e: {  	_ = 	snop  }
0x1f: {  	[tilespmem:s20], [sflag:$0x1] =	stream.indirect.gather [hbm4b:s3+s11], $0x1, s19, s11, $0xb8;
	[tilespmem:$0x800] =	vst v63  }
0x20: {  	_ = 	snop  }
0x21: {  	[tilespmem:s21], [sflag:$0x1] =	stream.indirect.gather [hbm4b:s4+s11], $0x1, s19, s11, $0xb8;
	[tilespmem:$0x800] =	vst v63  }
0x22: {  	_ =	swait.ge [sflag:s22], $0x80  }
0x23: {  	[sflag:s22] =	ssyncset.done $0x0  }
0x24: {  	[sflag:s22] =	ssyncadd.s32 $0xFFFFFF80  }
0x25: {  	_ =	swait.ge [sflag:s22], $0x80  }
0x26: {  	[sflag:s22] =	ssyncset.done $0x0  }
0x27: {  	[sflag:s22] =	ssyncadd.s32 $0xFFFFFF80  }
0x28: {  	_ =	swait.ge [sflag:s22], $0x80  }
0x29: {  	[sflag:s22] =	ssyncset.done $0x0  }
0x2a: {  	[sflag:s22] =	ssyncadd.s32 $0xFFFFFF80  }
0x2b: {  	_ =	swait.ge [sflag:s22], $0x80  }
0x2c: {  	[sflag:s22] =	ssyncset.done $0x0  }
0x2d: {  	[sflag:s22] =	ssyncadd.s32 $0xFFFFFF80  }
0x2e: {  	_ =	swait.ge [sflag:s22], $0x80  }
0x2f: {  	[sflag:s22] =	ssyncset.done $0x0  }
0x30: {  	[sflag:s22] =	ssyncadd.s32 $0xFFFFFF80  }
0x31: {  	_ =	swait.ge [sflag:s22], $0x80  }
0x32: {  	[sflag:s22] =	ssyncset.done $0x0  }
0x33: {  	[sflag:s22] =	ssyncadd.s32 $0xFFFFFF80  }
0x34: {  	_ =	swait.ge [sflag:s22], $0x80  }
0x35: {  	[sflag:s22] =	ssyncset.done $0x0  }
0x36: {  	[sflag:s22] =	ssyncadd.s32 $0xFFFFFF80  }
0x37: {  	_ =	swait.ge [sflag:s22], $0x80  }
0x38: {  	[sflag:s22] =	ssyncset.done $0x0  }
0x39: {  	[sflag:s22] =	ssyncadd.s32 $0xFFFFFF80  }
0x3a: {  	v10 =	vld [tilespmem:$0x200]  }
0x3b: {  	v0 =	vld [tilespmem:$0x400]  }
0x3c: {  	v11 =	vld [tilespmem:$0x210]  }
0x3d: {  	v2 =	vld [tilespmem:$0x410]  }
0x3e: {  	v12 =	vld [tilespmem:$0x220]  }
0x3f: {  	v3 =	vld [tilespmem:$0x420]  }
0x40: {  	v13 =	vld [tilespmem:$0x230]  }
0x41: {  	v5 =	vld [tilespmem:$0x430]  }
0x42: {  	v14 =	vld [tilespmem:$0x240]  }
0x43: {  	v7 =	vld [tilespmem:$0x440]  }
0x44: {  	v15 =	vld [tilespmem:$0x250]  }
0x45: {  	v9 =	vld [tilespmem:$0x450]  }
0x46: {  	v16 =	vld [tilespmem:$0x260]  }
0x47: {  	v17 =	vld [tilespmem:$0x460]  }
0x48: {  	v18 =	vld [tilespmem:$0x270]  }
0x49: {  	v19 =	vld [tilespmem:$0x470]  }
0x4a: {  	v20 =	vld [tilespmem:$0x280]  }
0x4b: {  	v21 =	vld [tilespmem:$0x480]  }
0x4c: {  	v22 =	vld [tilespmem:$0x290]  }
0x4d: {  	v23 =	vld [tilespmem:$0x490]  }
0x4e: {  	v24 =	vld [tilespmem:$0x2A0]  }
0x4f: {  	v25 =	vld [tilespmem:$0x4A0]  }
0x50: {  	v26 =	vld [tilespmem:$0x2B0]  }
0x51: {  	v27 =	vld [tilespmem:$0x4B0]  }
0x52: {  	v28 =	vld [tilespmem:$0x2C0]  }
0x53: {  	v29 =	vld [tilespmem:$0x4C0]  }
0x54: {  	v30 =	vld [tilespmem:$0x2D0]  }
0x55: {  	v31 =	vld [tilespmem:$0x4D0]  }
0x56: {  	v32 =	vld [tilespmem:$0x2E0]  }
0x57: {  	v33 =	vld [tilespmem:$0x4E0]  }
0x58: {  	v8 =	vld [tilespmem:$0x2F0]  }
0x59: {  	v34 =	vld [tilespmem:$0x4F0]  }
0x5a: {  	v6 =	vld [tilespmem:$0x300]  }
0x5b: {  	v35 =	vld [tilespmem:$0x500]  }
0x5c: {  	v4 =	vld [tilespmem:$0x310]  }
0x5d: {  	v36 =	vld [tilespmem:$0x510]  }
0x5e: {  	v1 =	vld [tilespmem:$0x320]  }
0x5f: {  	v38 =	vld [tilespmem:$0x520];
	v37 =	vadd.f32 v0, v10  }
0x60: {  	v39 =	vld [tilespmem:$0x540];
	v2 =	vadd.f32 v2, v11  }
0x61: {  	v0 =	vld [tilespmem:$0x330];
	v3 =	vadd.f32 v3, v12;
	(erf) = vrcp.f32 v37  }
0x62: {  	v5 =	vadd.f32 v5, v13;
	v42 =	vadd.f32 v17, v16;
	v17 =	vld [tilespmem:$0x550];
	(erf) = vrcp.f32 v2  }
0x63: {  	v7 =	vadd.f32 v7, v14;
	v44 =	vadd.f32 v21, v20;
	v21 =	vld [tilespmem:$0x560];
	(erf) = vrcp.f32 v3  }
0x64: {  	v41 =	vadd.f32 v9, v15;
	v45 =	vadd.f32 v23, v22;
	v23 =	vld [tilespmem:$0x570];
	(erf) = vrcp.f32 v5  }
0x65: {  	v9 =	vld [tilespmem:$0x380];
	(erf) = vrcp.f32 v7  }
0x66: {  	v43 =	vadd.f32 v19, v18;
	v49 =	vadd.f32 v29, v28;
	v29 =	vld [tilespmem:$0x580];
	(erf) = vrcp.f32 v41  }
0x67: {  	v51 =	vadd.f32 v31, v30;
	v31 =	vld [tilespmem:$0x390];
	(erf) = vrcp.f32 v42  }
0x68: {  	v46 =	vadd.f32 v25, v24;
	v25 =	vld [tilespmem:$0x590];
	(erf) = vrcp.f32 v43  }
0x69: {  	v19 =	vld [tilespmem:$0x5A0];
	(erf) = vrcp.f32 v44  }
0x6a: {  	v27 =	vadd.f32 v27, v26;
	v63 =	vadd.f32 v36, v4;
	v36 =	vld [tilespmem:$0x5B0];
	v47 =	vpop (erf);
	(erf) = vrcp.f32 v45  }
0x6b: {  	v37 =	vld [tilespmem:$0x530];
	v10 =	vmul.f32 v47, v10;
	v48 =	vpop (erf);
	(erf) = vrcp.f32 v46  }
0x6c: {  	v2 =	vld [tilespmem:$0x340];
	v11 =	vmul.f32 v48, v11;
	v50 =	vpop (erf);
	(erf) = vrcp.f32 v27  }
0x6d: {  	v54 =	vadd.f32 v33, v32;
	v3 =	vld [tilespmem:$0x350];
	[tilespmem:$0x600] =	vst v10;
	v52 =	vmul.f32 v50, v12;
	v53 =	vpop (erf);
	(erf) = vrcp.f32 v49  }
0x6e: {  	v57 =	vadd.f32 v34, v8;
	v5 =	vld [tilespmem:$0x360];
	[tilespmem:$0x610] =	vst v11;
	v55 =	vmul.f32 v53, v13;
	v56 =	vpop (erf);
	(erf) = vrcp.f32 v51  }
0x6f: {  	v60 =	vadd.f32 v35, v6;
	v7 =	vld [tilespmem:$0x370];
	[tilespmem:$0x620] =	vst v52;
	v58 =	vmul.f32 v56, v14;
	v59 =	vpop (erf);
	(erf) = vrcp.f32 v54  }
0x70: {  	v35 =	vadd.f32 v38, v1;
	v45 =	vld [tilespmem:$0x5C0];
	[tilespmem:$0x630] =	vst v55;
	v61 =	vmul.f32 v59, v15;
	v62 =	vpop (erf);
	(erf) = vrcp.f32 v57  }
0x71: {  	v41 =	vadd.f32 v37, v0;
	v27 =	vld [tilespmem:$0x3A0];
	[tilespmem:$0x640] =	vst v58;
	v33 =	vmul.f32 v62, v16;
	v34 =	vpop (erf);
	(erf) = vrcp.f32 v60  }
0x72: {  	v48 =	vadd.f32 v17, v3;
	v17 =	vld [tilespmem:$0x3D0];
	[tilespmem:$0x650] =	vst v61;
	v38 =	vmul.f32 v34, v18;
	v40 =	vpop (erf);
	(erf) = vrcp.f32 v63  }
0x73: {  	v44 =	vadd.f32 v39, v2;
	v52 =	vld [tilespmem:$0x5D0];
	[tilespmem:$0x660] =	vst v33;
	v42 =	vmul.f32 v40, v20;
	v43 =	vpop (erf);
	(erf) = vrcp.f32 v35  }
0x74: {  	v15 =	vld [tilespmem:$0x3B0];
	[tilespmem:$0x670] =	vst v38;
	v46 =	vmul.f32 v43, v22;
	v47 =	vpop (erf);
	(erf) = vrcp.f32 v41  }
0x75: {  	v51 =	vadd.f32 v21, v5;
	v59 =	vld [tilespmem:$0x5E0];
	[tilespmem:$0x680] =	vst v42;
	v49 =	vmul.f32 v47, v24;
	v50 =	vpop (erf);
	(erf) = vrcp.f32 v44  }
0x76: {  	v55 =	vadd.f32 v23, v7;
	v18 =	vld [tilespmem:$0x3C0];
	[tilespmem:$0x690] =	vst v46;
	v53 =	vmul.f32 v50, v26;
	v54 =	vpop (erf);
	(erf) = vrcp.f32 v48  }
0x77: {  	v58 =	vadd.f32 v29, v9;
	v29 =	vld [tilespmem:$0x5F0];
	[tilespmem:$0x6A0] =	vst v49;
	v56 =	vmul.f32 v54, v28;
	v57 =	vpop (erf);
	(erf) = vrcp.f32 v51  }
0x78: {  	v62 =	vadd.f32 v25, v31;
	v22 =	vld [tilespmem:$0x3E0];
	[tilespmem:$0x6B0] =	vst v53;
	v60 =	vmul.f32 v57, v30;
	v61 =	vpop (erf);
	(erf) = vrcp.f32 v55  }
0x79: {  	v63 =	vld [tilespmem:$0x3F0];
	v28 =	vadd.f32 v19, v27;
	[tilespmem:$0x6C0] =	vst v56;
	v25 =	vmul.f32 v61, v32;
	v26 =	vpop (erf);
	(erf) = vrcp.f32 v58  }
0x7a: {  	v32 =	vadd.f32 v36, v15;
	[tilespmem:$0x6D0] =	vst v60;
	v8 =	vmul.f32 v26, v8;
	v30 =	vpop (erf);
	(erf) = vrcp.f32 v62  }
0x7b: {  	v34 =	vadd.f32 v45, v18;
	[tilespmem:$0x6E0] =	vst v25;
	v6 =	vmul.f32 v30, v6;
	v33 =	vpop (erf);
	(erf) = vrcp.f32 v28  }
0x7c: {  	v36 =	vadd.f32 v52, v17;
	[tilespmem:$0x6F0] =	vst v8;
	v4 =	vmul.f32 v33, v4;
	v35 =	vpop (erf);
	(erf) = vrcp.f32 v32  }
0x7d: {  	v38 =	vadd.f32 v59, v22;
	[tilespmem:$0x700] =	vst v6;
	v1 =	vmul.f32 v35, v1;
	v37 =	vpop (erf);
	(erf) = vrcp.f32 v34  }
0x7e: {  	v40 =	vadd.f32 v29, v63;
	[tilespmem:$0x710] =	vst v4;
	v0 =	vmul.f32 v37, v0;
	v39 =	vpop (erf);
	(erf) = vrcp.f32 v36  }
0x7f: {  	[tilespmem:$0x720] =	vst v1;
	v41 =	vmul.f32 v39, v2;
	v42 =	vpop (erf);
	(erf) = vrcp.f32 v38  }
0x80: {  	[tilespmem:$0x730] =	vst v0;
	v43 =	vmul.f32 v42, v3;
	v44 =	vpop (erf);
	(erf) = vrcp.f32 v40  }
0x81: {  	v45 =	vpop (erf);
	[tilespmem:$0x740] =	vst v41;
	v46 =	vmul.f32 v44, v5  }
0x82: {  	v47 =	vpop (erf);
	[tilespmem:$0x750] =	vst v43;
	v48 =	vmul.f32 v45, v7  }
0x83: {  	v49 =	vpop (erf);
	[tilespmem:$0x760] =	vst v46;
	v50 =	vmul.f32 v47, v9  }
0x84: {  	v51 =	vpop (erf);
	[tilespmem:$0x770] =	vst v48;
	v52 =	vmul.f32 v49, v31  }
0x85: {  	v53 =	vpop (erf);
	[tilespmem:$0x780] =	vst v50;
	v54 =	vmul.f32 v51, v27  }
0x86: {  	v55 =	vpop (erf);
	[tilespmem:$0x790] =	vst v52;
	v56 =	vmul.f32 v53, v15  }
0x87: {  	v57 =	vpop (erf);
	[tilespmem:$0x7A0] =	vst v54;
	v58 =	vmul.f32 v55, v18  }
0x88: {  	v59 =	vpop (erf);
	[tilespmem:$0x7B0] =	vst v56;
	v60 =	vmul.f32 v57, v17  }
0x89: {  	[tilespmem:$0x7C0] =	vst v58;
	v61 =	vmul.f32 v59, v22;
	v62 =	vpop (erf)  }
0x8a: {  	[tilespmem:$0x7D0] =	vst v60;
	v63 =	vmul.f32 v62, v63  }
0x8b: {  	[tilespmem:$0x7E0] =	vst v61  }
0x8c: {  	[tilespmem:$0x7F0] =	vst v63  }
0x8d: {  	[hbm4b:s6+s1] =	stream.linear.scatter [tilespmem:s12], [sflag:$0x2], $0x200, $0x38;
	[tilespmem:$0x800] =	vst v63  }
0x8e: {  	_ =	swait.ge [sflag:s10], $0x200  }
0x8f: {  	[sflag:s10] =	ssyncset.done $0x0  }
0x90: {  	[sflag:s10] =	ssyncadd.s32 $0xFFFFFE00  }
0x91: {  	[hbm4b:s7+s1] =	stream.linear.scatter [tilespmem:s13], [sflag:$0x2], $0x200, $0x38;
	[tilespmem:$0x800] =	vst v63  }
0x92: {  	_ =	swait.ge [sflag:s10], $0x200  }
0x93: {  	p0 =	sne.s32 s9, $0x1;
	[sflag:s10] =	ssyncset.done $0x0  }
.Ltmp0:
0x94: {  	[sflag:s10] =	ssyncadd.s32 $0xFFFFFE00;
	(pc) =	sbr.rel @p0 .LBB2_1-.Ltmp0, $4  }
0x95: {  	[hbm4b:s8+s1] =	stream.linear.scatter [tilespmem:s23], [sflag:$0x2], $0x200, $0x38;
	[tilespmem:$0x800] =	vst v63  }
0x96: {  	_ =	swait.ge [sflag:s10], $0x200  }
0x97: {  	[sflag:s10] =	ssyncset.done $0x0  }
0x98: {  	s9 =	sadd.s32 $0xFFFFFFFF, s9;
	[sflag:s10] =	ssyncadd.s32 $0xFFFFFE00  }
0x99: {  	_ =	sfence.sel $0x180000  }
0x9a: {  	[bflag:$0x0] =	sbarrier.arrive $0xFFFF  }
0x9b: {  	p0 =	sne.s32 s2, $0x0;
	_ =	strace $0x90000047  }
0x9c: {  	s0 =	sadd.s32 @!p0 $0x100000, s0;
	[bflag:$0x2] =	sbarrier.arrive $0xFFFF  }
0x9d: {  	[sflag:s0] =	ssyncadd.tile.s32 @!p0 $0x1;
	_ =	shalt  }
.Lfunc_end2:
_tile_overlayer_lowered:
.L_overlay_start_2:
0x9e: {  	(tag) =	ssettag $0x2  }
0x9f: {  	s0 =	rddreg [dreg:$0x0];
	s2 =	stileid.u32  }
0xa0: {  	s1 =	rddreg [dreg:$0x1];
	p0 =	sne.s32 s2, $0x0  }
0xa1: {  	s3 =	rddreg [dreg:$0x2];
	[bflag:$0x3] =	sbarrier.arrive $0xFFFF;
	s2 =	simm.s32 @!p0 $0x1C02  }
0xa2: {  	[timem:s3], [sflag:s2] =	dma.local @!p0 [hbm:s0], s1  }
0xa3: {  	s0 =	simm.s32 @!p0 $0x2  }
0xa4: {  	_ =	swait.ge @!p0 [sflag:s0], s1  }
0xa5: {  	s1 =	ssub.s32 @!p0 $0x0, s1;
	[sflag:s0] =	ssyncset.done @!p0 $0x0  }
0xa6: {  	[sflag:s0] =	ssyncadd.s32 @!p0 s1  }
0xa7: {  	[bflag:$0x3] =	sbarrier.arrive $0xFFFF  }
0xa8: {  	_ =	shalt  }

</sc_bundles>
